<compile_context>
chip_gen: v7x
topology: tpu7x:2x2x1
jax: 0.10.2.dev20260603
libtpu: 0.0.44.dev20260713+nightly
codegen_flags: <defaults>
</compile_context>

<pallas_src>
import functools

import jax
import jax.numpy as jnp
from jax import lax
from jax.experimental import pallas as pl
from jax.experimental.pallas import tpu as pltpu
from jax.experimental.pallas import tpu_sc as plsc

N = 10000
E = 320000
D = 128
B = 10
C = 10
PG = N // B
BC = B * C
DE = 16
FCE = B * C * (C - 1)
FCP = 1024

NC = 2
NS = 16
NW = NC * NS
CH = E // NW
LANES = 16
GTH = 128
DUMP = BC
ACC_ROWS = 104
CBUF = CH + 2 * GTH
TRASH = CBUF - LANES
DW = D // 2
XROW = 2 * DW
XSLAB = 1000
NLOADERS = (N // 2) // XSLAB


def _sc_body(src_hbm, dst_hbm, x_hbm, out_hbm,
             src_v, dst_v, srcc, slotc, sidx, slot_idx, hidx, rows_b, rows_v,
             zbuf, shared, xsh, sem, sem2):
    cid = lax.axis_index("c")
    sid = lax.axis_index("s")
    wid = sid * NC + cid
    base = wid * CH
    @pl.when(sid < NLOADERS)
    def _stage_x():
        pltpu.async_copy(x_hbm.at[pl.ds(sid * XSLAB, XSLAB)],
                         xsh.at[pl.ds(sid * XSLAB, XSLAB)], sem2).wait()
    pltpu.sync_copy(src_hbm.at[pl.ds(base, CH)], src_v)
    pltpu.sync_copy(dst_hbm.at[pl.ds(base, CH)], dst_v)

    zero16 = jnp.zeros((LANES,), jnp.float32)

    @pl.when(sid < ACC_ROWS // 8)
    def _zero_shared():
        def zero_row(r, carry):
            for k in range(D // LANES):
                zbuf[r, pl.ds(k * LANES, LANES)] = zero16
            return carry
        lax.fori_loop(0, 8, zero_row, 0)
        pltpu.sync_copy(zbuf.at[pl.ds(0, 8)], shared.at[pl.ds(sid * 8, 8)])

    vPG = jnp.full((LANES,), PG, jnp.int32)
    vC = jnp.full((LANES,), C, jnp.int32)
    vTH = jnp.full((LANES,), PG - C, jnp.int32)
    v0 = jnp.full((LANES,), 0, jnp.int32)
    v1 = jnp.full((LANES,), 1, jnp.int32)
    vTRASH = jnp.full((LANES,), TRASH, jnp.int32)
    vMUL = jnp.full((LANES,), 67109, jnp.int32)
    vSH = jnp.full((LANES,), 26, jnp.int32)

    def scan_body(i, cnt):
        d = dst_v[pl.ds(i * LANES, LANES)]
        s = src_v[pl.ds(i * LANES, LANES)]
        g = lax.shift_right_logical(d * vMUL, vSH)
        r = d - g * vPG
        m = r >= vTH
        slot = g * vC + (r - vTH)
        mi = jnp.where(m, v1, v0)
        cum = plsc.cumsum(mi)
        vcnt = lax.broadcast_in_dim(cnt, (LANES,), ())
        pos = jnp.where(m, vcnt + cum - v1, vTRASH)
        plsc.store_scatter(srcc, [pos], s)
        plsc.store_scatter(slotc, [pos], slot)
        pc = plsc.all_reduce_population_count(m)
        return cnt + pc[0]

    cnt = plsc.parallel_loop(0, CH // LANES, carry=jnp.int32(0),
                             unroll=8)(scan_body)

    dummy_src = jnp.zeros((LANES,), jnp.int32)
    dummy_slot = jnp.full((LANES,), DUMP, jnp.int32)
    for k in range(GTH // LANES):
        srcc[pl.ds(cnt + k * LANES, LANES)] = dummy_src
        slotc[pl.ds(cnt + k * LANES, LANES)] = dummy_slot

    nch = lax.div(cnt + (GTH - 1), GTH)
    plsc.subcore_barrier()

    v16 = jnp.full((LANES,), 16, jnp.int32)
    vHI = jnp.full((LANES,), -65536, jnp.int32)
    vONE = jnp.full((LANES,), 1, jnp.int32)

    def conv_row(r, carry):
        sv = sidx[pl.ds(r, LANES)]
        sh = (1 - (sv[0] & 1)) * 16
        vsh = lax.broadcast_in_dim(sh, (LANES,), ())
        for k in range(D // LANES):
            w = rows_b[r, pl.ds(k * LANES, LANES)]
            rows_v[r, pl.ds(k * LANES, LANES)] = plsc.bitcast(
                lax.shift_left(w, vsh) & vHI, jnp.float32)
        return carry

    def chunk(j, carry):
        for k in range(GTH // LANES):
            sv = srcc[pl.ds(j * GTH + k * LANES, LANES)]
            sidx[pl.ds(k * LANES, LANES)] = sv
            hidx[pl.ds(k * LANES, LANES)] = lax.shift_right_logical(sv, vONE)
            slot_idx[pl.ds(k * LANES, LANES)] = slotc[pl.ds(j * GTH + k * LANES, LANES)]
        pltpu.async_copy(xsh.at[hidx], rows_b, sem).wait()
        lax.fori_loop(0, GTH, conv_row, 0)
        pltpu.sync_copy(rows_v, shared.at[slot_idx], add=True)
        return carry

    lax.fori_loop(0, nch, chunk, 0)
    plsc.subcore_barrier()

    @pl.when(sid == 0)
    def _write_out():
        pltpu.sync_copy(shared, out_hbm.at[cid])


def _make_sc_aggregate():
    return pl.kernel(
        _sc_body,
        out_type=jax.ShapeDtypeStruct((NC, ACC_ROWS, D), jnp.float32),
        mesh=plsc.VectorSubcoreMesh(
            core_axis_name="c", subcore_axis_name="s",
            num_cores=NC, num_subcores=NS),
        compiler_params=pltpu.CompilerParams(needs_layout_passes=False),
        scratch_types=[
            pltpu.VMEM((CH,), jnp.int32),
            pltpu.VMEM((CH,), jnp.int32),
            pltpu.VMEM((CBUF,), jnp.int32),
            pltpu.VMEM((CBUF,), jnp.int32),
            pltpu.VMEM((GTH + LANES,), jnp.int32),
            pltpu.VMEM((GTH,), jnp.int32),
            pltpu.VMEM((GTH,), jnp.int32),
            pltpu.VMEM((GTH, XROW), jnp.int32),
            pltpu.VMEM((GTH, D), jnp.float32),
            pltpu.VMEM((ACC_ROWS, D), jnp.float32),
            pltpu.VMEM_SHARED((ACC_ROWS, D), jnp.float32),
            pltpu.VMEM_SHARED((N // 2, XROW), jnp.int32),
            pltpu.SemaphoreType.DMA,
            pltpu.SemaphoreType.DMA,
        ],
    )


def _tc_body(parts, xc, fs_col, fd_row, fe, gf,
             W_conv, W_self, b_conv, W_mid, W_edge, b_mid,
             W_inst, b_inst, W_dec, b_dec, out):
    f32 = jnp.float32
    dot = functools.partial(jnp.dot, preferred_element_type=f32,
                            precision=lax.Precision.HIGHEST)

    bf = lambda a: a.astype(jnp.bfloat16).astype(f32)

    p = parts[...]
    agg = (p[0] + p[1])[:BC, :]
    h = jnp.maximum(dot(agg, bf(W_conv[...])) + dot(xc[...], bf(W_self[...]))
                    + b_conv[...], 0.0)
    hb = bf(h)

    cand_row = lax.broadcasted_iota(jnp.int32, (BC, FCP), 0)
    Mdst = (fd_row[...] == cand_row).astype(f32)
    ef = dot(Mdst, bf(fe[...]))
    cand_col = lax.broadcasted_iota(jnp.int32, (FCP, BC), 1)
    MsrcT = (fs_col[...] == cand_col).astype(f32)
    A = dot(Mdst, MsrcT)
    cand2 = jnp.maximum(dot(dot(A, hb), bf(W_mid[...]))
                        + dot(ef, bf(W_edge[...])) + b_mid[...], 0.0)
    cand2b = bf(cand2)

    gi = jnp.maximum(dot(bf(gf[...]), bf(W_inst[...])) + b_inst[...], 0.0)
    gib = bf(gi)
    grow = lax.broadcasted_iota(jnp.int32, (BC, B), 0) // C
    gcol = lax.broadcasted_iota(jnp.int32, (BC, B), 1)
    GG = (grow == gcol).astype(f32)
    grep = dot(GG, gib)

    Wd = bf(W_dec[...])
    logits = (dot(hb, Wd[0:D, :]) + dot(cand2b, Wd[D:2 * D, :])
              + dot(grep, Wd[2 * D:3 * D, :]) + b_dec[...])

    ga = lax.broadcasted_iota(jnp.int32, (B, BC), 1) // C
    gr = lax.broadcasted_iota(jnp.int32, (B, BC), 0)
    G10 = (ga == gr).astype(f32)
    ja = lax.broadcasted_iota(jnp.int32, (BC, C), 0) % C
    jc = lax.broadcasted_iota(jnp.int32, (BC, C), 1)
    J = (ja == jc).astype(f32)
    L = dot(G10, logits * J)

    mx = jnp.max(L, axis=1, keepdims=True)
    ex = jnp.exp(L - mx)
    out[...] = ex / jnp.sum(ex, axis=1, keepdims=True)


def kernel(x, edge_index, fc_edge_index, fc_edge_feat, globalFeat,
           W_conv, W_self, b_conv, W_mid, W_edge, b_mid,
           W_inst, b_inst, W_dec, b_dec):
    xb16 = x.astype(jnp.bfloat16)
    xp = xb16.reshape(N // 2, 2, D)
    xe = lax.bitcast_convert_type(xp[:, 0, :], jnp.uint16).astype(jnp.uint32)
    xo = lax.bitcast_convert_type(xp[:, 1, :], jnp.uint16).astype(jnp.uint32)
    xi = lax.bitcast_convert_type(xe | (xo << 16), jnp.int32)
    parts = _make_sc_aggregate()(edge_index[0], edge_index[1], xi)

    xc = xb16.reshape(B, PG, D)[:, PG - C:, :].reshape(BC, D).astype(
        jnp.float32)
    fs_col = jnp.pad(fc_edge_index[0], (0, FCP - FCE),
                     constant_values=-1).reshape(FCP, 1)
    fd_row = jnp.pad(fc_edge_index[1], (0, FCP - FCE),
                     constant_values=-1).reshape(1, FCP)
    fe = jnp.pad(fc_edge_feat, ((0, FCP - FCE), (0, 0)))

    return pl.pallas_call(
        _tc_body,
        out_shape=jax.ShapeDtypeStruct((B, C), jnp.float32),
    )(parts, xc, fs_col, fd_row, fe, globalFeat,
      W_conv, W_self, b_conv.reshape(1, D), W_mid, W_edge,
      b_mid.reshape(1, D), W_inst, b_inst.reshape(1, D),
      W_dec, b_dec.reshape(1, 1))

# --- scband reference (transcript-rebuilt; emitter-appended) ---
"""Pipeline reference for scband-actor-net-46875273068978 (READ-ONLY COPY).

The authoritative reference and input builder live on the scoring server;
editing this copy changes nothing except your own understanding.
"""

import jax, jax.numpy as jnp
import numpy as np

N = 10000
E = 320000
D = 128
B = 10
C = 10
DG = 64
DE = 16
NOISE = 0.0


def _fc_edges(b, c):
    src = []
    dst = []
    for g in range(b):
        base = g * c
        for i in range(c):
            for j in range(c):
                if i != j:
                    src.append(base + i)
                    dst.append(base + j)
    return jnp.array([src, dst], dtype=jnp.int32)


def setup_inputs(seed: int = 0) -> dict:
    key = jax.random.key(seed)
    ks = jax.random.split(key, 16)
    sc = lambda d: 1.0 / np.sqrt(d)
    inp = {}
    inp['x'] = jax.random.normal(ks[0], (N, D), jnp.float32)
    inp['edge_index'] = jax.random.randint(ks[1], (2, E), 0, N, dtype=jnp.int32)
    inp['fc_edge_index'] = _fc_edges(B, C)
    inp['fc_edge_feat'] = jax.random.normal(ks[2], (B * C * (C - 1), DE), jnp.float32)
    inp['globalFeat'] = jax.random.normal(ks[3], (B, DG), jnp.float32)
    # graph_encoder params (GraphConv-style)
    inp['W_conv'] = jax.random.normal(ks[4], (D, D), jnp.float32) * sc(D)
    inp['W_self'] = jax.random.normal(ks[5], (D, D), jnp.float32) * sc(D)
    inp['b_conv'] = jnp.zeros((D,), jnp.float32)
    # actor_midlayer params (edge-conditioned conv on fcGraph)
    inp['W_mid'] = jax.random.normal(ks[6], (D, D), jnp.float32) * sc(D)
    inp['W_edge'] = jax.random.normal(ks[7], (DE, D), jnp.float32) * sc(DE)
    inp['b_mid'] = jnp.zeros((D,), jnp.float32)
    # instance_encoder params (MLP on globalFeat)
    inp['W_inst'] = jax.random.normal(ks[8], (DG, D), jnp.float32) * sc(DG)
    inp['b_inst'] = jnp.zeros((D,), jnp.float32)
    # actor_decoder params (scores per candidate -> softmax)
    inp['W_dec'] = jax.random.normal(ks[9], (3 * D, 1), jnp.float32) * sc(3 * D)
    inp['b_dec'] = jnp.zeros((1,), jnp.float32)
    return inp


def reference(x, edge_index, fc_edge_index, fc_edge_feat, globalFeat, W_conv, W_self, b_conv, W_mid, W_edge, b_mid, W_inst, b_inst, W_dec, b_dec):
    n = x.shape[0]
    b = globalFeat.shape[0]
    # --- graph_encoder on batched biGraph: message passing over E edges ---
    src = edge_index[0]
    dst = edge_index[1]
    msg = jnp.take(x, src, axis=0) @ W_conv
    agg = jax.ops.segment_sum(msg, dst, num_segments=n)
    h = jax.nn.relu(agg + x @ W_self + b_conv)
    # --- unbatch and take last num_candidate 'col' nodes per graph ---
    h_graphs = h.reshape(b, n // b, h.shape[-1])
    candidate_feature = h_graphs[:, -C:, :]  # [B, C, D]
    mid_feature = candidate_feature
    shape = candidate_feature.shape
    flat = candidate_feature.reshape(-1, shape[-1])  # [B*C, D]
    # --- actor_midlayer on fcGraph with edge features ---
    fs = fc_edge_index[0]
    fd = fc_edge_index[1]
    m = jnp.take(flat, fs, axis=0) @ W_mid + fc_edge_feat @ W_edge
    agg2 = jax.ops.segment_sum(m, fd, num_segments=flat.shape[0])
    cand2 = jax.nn.relu(agg2 + b_mid).reshape(shape)  # [B, C, D]
    # --- instance_encoder on globalFeat ---
    g = jax.nn.relu(globalFeat @ W_inst + b_inst)  # [B, D]
    g = jnp.repeat(g, repeats=shape[1], axis=0).reshape(shape[0], shape[1], g.shape[-1])
    # --- concat + actor_decoder ---
    feat = jnp.concatenate((mid_feature, cand2, g), axis=-1)  # [B, C, 3D]
    logits = (feat @ W_dec + b_dec).squeeze(-1)  # [B, C]
    output = jax.nn.softmax(logits, axis=-1)
    output = (1.0 - NOISE) * output + NOISE * jnp.ones_like(output) / output.shape[-1]
    return output

if __name__ == "__main__":
    import jax
    _d = setup_inputs()
    print(jax.jit(kernel)(*tuple(_d.values())))

</pallas_src>

<mosaic_0001>
#map = affine_map<(d0, d1) -> (0)>
#map1 = affine_map<(d0, d1) -> (0, 0)>
#map2 = affine_map<(d0, d1) -> (0, 0, 0)>
module attributes {stable_mosaic.version = 14 : i64} {
  func.func @_sc_body(%arg0: i32, %arg1: i32, %arg2: memref<320000xi32, #tpu.memory_space<hbm>>, %arg3: memref<320000xi32, #tpu.memory_space<hbm>>, %arg4: memref<5000x128xi32, #tpu.memory_space<hbm>>, %arg5: memref<2x104x128xf32, #tpu.memory_space<hbm>>, %arg6: memref<10000xi32, #tpu.memory_space<vmem>>, %arg7: memref<10000xi32, #tpu.memory_space<vmem>>, %arg8: memref<10256xi32, #tpu.memory_space<vmem>>, %arg9: memref<10256xi32, #tpu.memory_space<vmem>>, %arg10: memref<144xi32, #tpu.memory_space<vmem>>, %arg11: memref<128xi32, #tpu.memory_space<vmem>>, %arg12: memref<128xi32, #tpu.memory_space<vmem>>, %arg13: memref<128x128xi32, #tpu.memory_space<vmem>>, %arg14: memref<128x128xf32, #tpu.memory_space<vmem>>, %arg15: memref<104x128xf32, #tpu.memory_space<vmem>>, %arg16: memref<104x128xf32, #tpu.memory_space<vmem_shared>>, %arg17: memref<5000x128xi32, #tpu.memory_space<vmem_shared>>, %arg18: memref<!tpu.dma_semaphore, #tpu.memory_space<semaphore_mem>>, %arg19: memref<!tpu.dma_semaphore, #tpu.memory_space<semaphore_mem>>) attributes {dimension_semantics = [#tpu.dimension_semantics<core_parallel>, #tpu.dimension_semantics<subcore_parallel>], iteration_bounds = array<i64: 2, 16>, scalar_prefetch = 0 : i64, scratch_operands = 14 : i64, tpu.core_type = #tpu.core_type<sc_vector_subcore>, window_params = [{transform_indices = #map}, {transform_indices = #map}, {transform_indices = #map1}, {transform_indices = #map2}]} {
    %mul3A = arith.constant 2 : i32
    %mul3A_0 = arith.muli %arg1, %mul3A : i32
    %add3A = arith.addi %mul3A_0, %arg0 : i32
    %mul3A_1 = arith.constant 10000 : i32
    %mul3A_2 = arith.muli %add3A, %mul3A_1 : i32
    %lt3A = arith.constant 5 : i32
    %lt3A_3 = arith.cmpi slt, %arg1, %lt3A : i32
    %convert_element_type3A = arith.extui %lt3A_3 : i1 to i32
    %cond3A = arith.constant 0 : i32
    %cond3A_4 = arith.cmpi ne, %convert_element_type3A, %cond3A : i32
    scf.if %cond3A_4 {
      %mul3A_121 = arith.constant 1000 : i32
      %mul3A_122 = arith.muli %arg1, %mul3A_121 : i32
      %mul3A_123 = arith.constant 1000 : i32
      %mul3A_124 = arith.muli %arg1, %mul3A_123 : i32
      %dma_start3A = arith.constant 0 : i32
      %dma_start3A_125 = tpu.memref_slice %arg17[%mul3A_124, %dma_start3A] : memref<5000x128xi32, #tpu.memory_space<vmem_shared>> -> memref<1000x128xi32, #tpu.memory_space<vmem_shared>>
      %dma_start3A_126 = arith.constant 0 : i32
      %dma_start3A_127 = tpu.memref_slice %arg4[%mul3A_122, %dma_start3A_126] : memref<5000x128xi32, #tpu.memory_space<hbm>> -> memref<1000x128xi32, #tpu.memory_space<hbm>>
      tpu.enqueue_dma source(%dma_start3A_127 : memref<1000x128xi32, #tpu.memory_space<hbm>>) target(%dma_start3A_125 : memref<1000x128xi32, #tpu.memory_space<vmem_shared>>) target_semaphore(%arg19 : memref<!tpu.dma_semaphore, #tpu.memory_space<semaphore_mem>>)
      %dma_wait3A = arith.constant 0 : i32
      %dma_wait3A_128 = tpu.memref_slice %arg17[%mul3A_124, %dma_wait3A] : memref<5000x128xi32, #tpu.memory_space<vmem_shared>> -> memref<1000x128xi32, #tpu.memory_space<vmem_shared>>
      %dma_wait3A_129 = arith.constant 0 : i32
      %dma_wait3A_130 = tpu.memref_slice %arg4[%mul3A_122, %dma_wait3A_129] : memref<5000x128xi32, #tpu.memory_space<hbm>> -> memref<1000x128xi32, #tpu.memory_space<hbm>>
      tpu.wait_dma2 semaphore(%arg19 : memref<!tpu.dma_semaphore, #tpu.memory_space<semaphore_mem>>) src(%dma_wait3A_130 : memref<1000x128xi32, #tpu.memory_space<hbm>>) dst(%dma_wait3A_128 : memref<1000x128xi32, #tpu.memory_space<vmem_shared>>)
    } else {
    }
    "tpu.region"() ({
      %run_scoped3A = tpu.sem_alloc : memref<!tpu.dma_semaphore, #tpu.memory_space<semaphore_mem>>
      %dma_start3A = tpu.memref_slice %arg2[%mul3A_2] : memref<320000xi32, #tpu.memory_space<hbm>> -> memref<10000xi32, #tpu.memory_space<hbm>>
      %dma_start3A_121 = tpu.memref_slice %arg2[%mul3A_2] : memref<320000xi32, #tpu.memory_space<hbm>> -> memref<10000xi32, #tpu.memory_space<hbm>>
      tpu.enqueue_dma source(%dma_start3A_121 : memref<10000xi32, #tpu.memory_space<hbm>>) target(%arg6 : memref<10000xi32, #tpu.memory_space<vmem>>) target_semaphore(%run_scoped3A : memref<!tpu.dma_semaphore, #tpu.memory_space<semaphore_mem>>)
      %dma_wait3A = tpu.memref_slice %arg2[%mul3A_2] : memref<320000xi32, #tpu.memory_space<hbm>> -> memref<10000xi32, #tpu.memory_space<hbm>>
      %dma_wait3A_122 = tpu.memref_slice %arg2[%mul3A_2] : memref<320000xi32, #tpu.memory_space<hbm>> -> memref<10000xi32, #tpu.memory_space<hbm>>
      tpu.wait_dma2 semaphore(%run_scoped3A : memref<!tpu.dma_semaphore, #tpu.memory_space<semaphore_mem>>) src(%dma_wait3A_122 : memref<10000xi32, #tpu.memory_space<hbm>>) dst(%arg6 : memref<10000xi32, #tpu.memory_space<vmem>>)
      tpu.yield
    }) : () -> ()
    "tpu.region"() ({
      %run_scoped3A = tpu.sem_alloc : memref<!tpu.dma_semaphore, #tpu.memory_space<semaphore_mem>>
      %dma_start3A = tpu.memref_slice %arg3[%mul3A_2] : memref<320000xi32, #tpu.memory_space<hbm>> -> memref<10000xi32, #tpu.memory_space<hbm>>
      %dma_start3A_121 = tpu.memref_slice %arg3[%mul3A_2] : memref<320000xi32, #tpu.memory_space<hbm>> -> memref<10000xi32, #tpu.memory_space<hbm>>
      tpu.enqueue_dma source(%dma_start3A_121 : memref<10000xi32, #tpu.memory_space<hbm>>) target(%arg7 : memref<10000xi32, #tpu.memory_space<vmem>>) target_semaphore(%run_scoped3A : memref<!tpu.dma_semaphore, #tpu.memory_space<semaphore_mem>>)
      %dma_wait3A = tpu.memref_slice %arg3[%mul3A_2] : memref<320000xi32, #tpu.memory_space<hbm>> -> memref<10000xi32, #tpu.memory_space<hbm>>
      %dma_wait3A_122 = tpu.memref_slice %arg3[%mul3A_2] : memref<320000xi32, #tpu.memory_space<hbm>> -> memref<10000xi32, #tpu.memory_space<hbm>>
      tpu.wait_dma2 semaphore(%run_scoped3A : memref<!tpu.dma_semaphore, #tpu.memory_space<semaphore_mem>>) src(%dma_wait3A_122 : memref<10000xi32, #tpu.memory_space<hbm>>) dst(%arg7 : memref<10000xi32, #tpu.memory_space<vmem>>)
      tpu.yield
    }) : () -> ()
    %broadcast_in_dim3A = arith.constant 0.000000e+00 : f32
    %broadcast_in_dim3A_5 = vector.broadcast %broadcast_in_dim3A : f32 to vector<16xf32>
    %lt3A_6 = arith.constant 13 : i32
    %lt3A_7 = arith.cmpi slt, %arg1, %lt3A_6 : i32
    %convert_element_type3A_8 = arith.extui %lt3A_7 : i1 to i32
    %cond3A_9 = arith.constant 0 : i32
    %cond3A_10 = arith.cmpi ne, %convert_element_type3A_8, %cond3A_9 : i32
    scf.if %cond3A_10 {
      %scan3A = arith.constant 0 : i32
      %scan3A_121 = arith.constant 0 : i32
      %scan3A_122 = arith.constant 8 : i32
      %scan3A_123 = arith.addi %scan3A_121, %scan3A_122 : i32
      %scan3A_124 = arith.constant 1 : i32
      scf.for %scan3A_128 = %scan3A_121 to %scan3A_123 step %scan3A_124  : i32 {
        %swap3A_129 = arith.index_cast %scan3A_128 : i32 to index
        %swap3A_130 = arith.constant 0 : index
        %swap3A_131 = tpu.vector_load %arg15[%swap3A_129, %swap3A_130] {strides = array<i32>} : memref<104x128xf32, #tpu.memory_space<vmem>>, vector<16xf32>,
        tpu.vector_store %arg15[%swap3A_129, %swap3A_130], %broadcast_in_dim3A_5 {strides = array<i32>} : memref<104x128xf32, #tpu.memory_space<vmem>>, vector<16xf32>,
        %swap3A_132 = arith.index_cast %scan3A_128 : i32 to index
        %swap3A_133 = arith.constant 16 : index
        %swap3A_134 = tpu.vector_load %arg15[%swap3A_132, %swap3A_133] {strides = array<i32>} : memref<104x128xf32, #tpu.memory_space<vmem>>, vector<16xf32>,
        tpu.vector_store %arg15[%swap3A_132, %swap3A_133], %broadcast_in_dim3A_5 {strides = array<i32>} : memref<104x128xf32, #tpu.memory_space<vmem>>, vector<16xf32>,
        %swap3A_135 = arith.index_cast %scan3A_128 : i32 to index
        %swap3A_136 = arith.constant 32 : index
        %swap3A_137 = tpu.vector_load %arg15[%swap3A_135, %swap3A_136] {strides = array<i32>} : memref<104x128xf32, #tpu.memory_space<vmem>>, vector<16xf32>,
        tpu.vector_store %arg15[%swap3A_135, %swap3A_136], %broadcast_in_dim3A_5 {strides = array<i32>} : memref<104x128xf32, #tpu.memory_space<vmem>>, vector<16xf32>,
        %swap3A_138 = arith.index_cast %scan3A_128 : i32 to index
        %swap3A_139 = arith.constant 48 : index
        %swap3A_140 = tpu.vector_load %arg15[%swap3A_138, %swap3A_139] {strides = array<i32>} : memref<104x128xf32, #tpu.memory_space<vmem>>, vector<16xf32>,
        tpu.vector_store %arg15[%swap3A_138, %swap3A_139], %broadcast_in_dim3A_5 {strides = array<i32>} : memref<104x128xf32, #tpu.memory_space<vmem>>, vector<16xf32>,
        %swap3A_141 = arith.index_cast %scan3A_128 : i32 to index
        %swap3A_142 = arith.constant 64 : index
        %swap3A_143 = tpu.vector_load %arg15[%swap3A_141, %swap3A_142] {strides = array<i32>} : memref<104x128xf32, #tpu.memory_space<vmem>>, vector<16xf32>,
        tpu.vector_store %arg15[%swap3A_141, %swap3A_142], %broadcast_in_dim3A_5 {strides = array<i32>} : memref<104x128xf32, #tpu.memory_space<vmem>>, vector<16xf32>,
        %swap3A_144 = arith.index_cast %scan3A_128 : i32 to index
        %swap3A_145 = arith.constant 80 : index
        %swap3A_146 = tpu.vector_load %arg15[%swap3A_144, %swap3A_145] {strides = array<i32>} : memref<104x128xf32, #tpu.memory_space<vmem>>, vector<16xf32>,
        tpu.vector_store %arg15[%swap3A_144, %swap3A_145], %broadcast_in_dim3A_5 {strides = array<i32>} : memref<104x128xf32, #tpu.memory_space<vmem>>, vector<16xf32>,
        %swap3A_147 = arith.index_cast %scan3A_128 : i32 to index
        %swap3A_148 = arith.constant 96 : index
        %swap3A_149 = tpu.vector_load %arg15[%swap3A_147, %swap3A_148] {strides = array<i32>} : memref<104x128xf32, #tpu.memory_space<vmem>>, vector<16xf32>,
        tpu.vector_store %arg15[%swap3A_147, %swap3A_148], %broadcast_in_dim3A_5 {strides = array<i32>} : memref<104x128xf32, #tpu.memory_space<vmem>>, vector<16xf32>,
        %swap3A_150 = arith.index_cast %scan3A_128 : i32 to index
        %swap3A_151 = arith.constant 112 : index
        %swap3A_152 = tpu.vector_load %arg15[%swap3A_150, %swap3A_151] {strides = array<i32>} : memref<104x128xf32, #tpu.memory_space<vmem>>, vector<16xf32>,
        tpu.vector_store %arg15[%swap3A_150, %swap3A_151], %broadcast_in_dim3A_5 {strides = array<i32>} : memref<104x128xf32, #tpu.memory_space<vmem>>, vector<16xf32>,
      }
      %scan3A_125 = arith.constant 8 : i32
      %mul3A_126 = arith.constant 8 : i32
      %mul3A_127 = arith.muli %arg1, %mul3A_126 : i32
      "tpu.region"() ({
        %run_scoped3A = tpu.sem_alloc : memref<!tpu.dma_semaphore, #tpu.memory_space<semaphore_mem>>
        %dma_start3A = arith.constant 0 : i32
        %dma_start3A_128 = arith.constant 0 : i32
        %dma_start3A_129 = tpu.memref_slice %arg15[%dma_start3A, %dma_start3A_128] : memref<104x128xf32, #tpu.memory_space<vmem>> -> memref<8x128xf32, #tpu.memory_space<vmem>>
        %dma_start3A_130 = arith.constant 0 : i32
        %dma_start3A_131 = tpu.memref_slice %arg16[%mul3A_127, %dma_start3A_130] : memref<104x128xf32, #tpu.memory_space<vmem_shared>> -> memref<8x128xf32, #tpu.memory_space<vmem_shared>>
        %dma_start3A_132 = arith.constant 0 : i32
        %dma_start3A_133 = tpu.memref_slice %arg16[%mul3A_127, %dma_start3A_132] : memref<104x128xf32, #tpu.memory_space<vmem_shared>> -> memref<8x128xf32, #tpu.memory_space<vmem_shared>>
        %dma_start3A_134 = arith.constant 0 : i32
        %dma_start3A_135 = arith.constant 0 : i32
        %dma_start3A_136 = tpu.memref_slice %arg15[%dma_start3A_134, %dma_start3A_135] : memref<104x128xf32, #tpu.memory_space<vmem>> -> memref<8x128xf32, #tpu.memory_space<vmem>>
        tpu.enqueue_dma source(%dma_start3A_136 : memref<8x128xf32, #tpu.memory_space<vmem>>) target(%dma_start3A_133 : memref<8x128xf32, #tpu.memory_space<vmem_shared>>) target_semaphore(%run_scoped3A : memref<!tpu.dma_semaphore, #tpu.memory_space<semaphore_mem>>)
        %dma_wait3A = arith.constant 0 : i32
        %dma_wait3A_137 = arith.constant 0 : i32
        %dma_wait3A_138 = tpu.memref_slice %arg15[%dma_wait3A, %dma_wait3A_137] : memref<104x128xf32, #tpu.memory_space<vmem>> -> memref<8x128xf32, #tpu.memory_space<vmem>>
        %dma_wait3A_139 = arith.constant 0 : i32
        %dma_wait3A_140 = tpu.memref_slice %arg16[%mul3A_127, %dma_wait3A_139] : memref<104x128xf32, #tpu.memory_space<vmem_shared>> -> memref<8x128xf32, #tpu.memory_space<vmem_shared>>
        %dma_wait3A_141 = arith.constant 0 : i32
        %dma_wait3A_142 = tpu.memref_slice %arg16[%mul3A_127, %dma_wait3A_141] : memref<104x128xf32, #tpu.memory_space<vmem_shared>> -> memref<8x128xf32, #tpu.memory_space<vmem_shared>>
        %dma_wait3A_143 = arith.constant 0 : i32
        %dma_wait3A_144 = arith.constant 0 : i32
        %dma_wait3A_145 = tpu.memref_slice %arg15[%dma_wait3A_143, %dma_wait3A_144] : memref<104x128xf32, #tpu.memory_space<vmem>> -> memref<8x128xf32, #tpu.memory_space<vmem>>
        tpu.wait_dma2 semaphore(%run_scoped3A : memref<!tpu.dma_semaphore, #tpu.memory_space<semaphore_mem>>) src(%dma_wait3A_145 : memref<8x128xf32, #tpu.memory_space<vmem>>) dst(%dma_wait3A_142 : memref<8x128xf32, #tpu.memory_space<vmem_shared>>)
        tpu.yield
      }) : () -> ()
    } else {
    }
    %broadcast_in_dim3A_11 = arith.constant 1000 : i32
    %broadcast_in_dim3A_12 = vector.broadcast %broadcast_in_dim3A_11 : i32 to vector<16xi32>
    %broadcast_in_dim3A_13 = arith.constant 10 : i32
    %broadcast_in_dim3A_14 = vector.broadcast %broadcast_in_dim3A_13 : i32 to vector<16xi32>
    %broadcast_in_dim3A_15 = arith.constant 990 : i32
    %broadcast_in_dim3A_16 = vector.broadcast %broadcast_in_dim3A_15 : i32 to vector<16xi32>
    %broadcast_in_dim3A_17 = arith.constant 0 : i32
    %broadcast_in_dim3A_18 = vector.broadcast %broadcast_in_dim3A_17 : i32 to vector<16xi32>
    %broadcast_in_dim3A_19 = arith.constant 1 : i32
    %broadcast_in_dim3A_20 = vector.broadcast %broadcast_in_dim3A_19 : i32 to vector<16xi32>
    %broadcast_in_dim3A_21 = arith.constant 10240 : i32
    %broadcast_in_dim3A_22 = vector.broadcast %broadcast_in_dim3A_21 : i32 to vector<16xi32>
    %broadcast_in_dim3A_23 = arith.constant 67109 : i32
    %broadcast_in_dim3A_24 = vector.broadcast %broadcast_in_dim3A_23 : i32 to vector<16xi32>
    %broadcast_in_dim3A_25 = arith.constant 26 : i32
    %broadcast_in_dim3A_26 = vector.broadcast %broadcast_in_dim3A_25 : i32 to vector<16xi32>
    %parallel_loop3A = arith.constant 0 : i32
    %parallel_loop3A_27 = arith.constant 625 : i32
    %parallel_loop3A_28 = arith.constant 1 : i32
    %parallel_loop3A_29 = arith.constant 0 : i32
    %parallel_loop3A_30 = scf.for %parallel_loop3A_121 = %parallel_loop3A to %parallel_loop3A_27 step %parallel_loop3A_28 iter_args(%parallel_loop3A_122 = %parallel_loop3A_29) -> (i32)  : i32 {
      %parallel_loop3A_123 = arith.constant 16 : i32
      %parallel_loop3A_124 = arith.muli %parallel_loop3A_121, %parallel_loop3A_123 : i32
      %parallel_loop3A_125 = arith.index_cast %parallel_loop3A_124 : i32 to index
      %parallel_loop3A_126 = tpu.vector_load %arg7[%parallel_loop3A_125] {strides = array<i32>} : memref<10000xi32, #tpu.memory_space<vmem>>, vector<16xi32>,
      %parallel_loop3A_127 = arith.constant 16 : i32
      %parallel_loop3A_128 = arith.muli %parallel_loop3A_121, %parallel_loop3A_127 : i32
      %parallel_loop3A_129 = arith.index_cast %parallel_loop3A_128 : i32 to index
      %parallel_loop3A_130 = tpu.vector_load %arg6[%parallel_loop3A_129] {strides = array<i32>} : memref<10000xi32, #tpu.memory_space<vmem>>, vector<16xi32>,
      %parallel_loop3A_131 = arith.muli %parallel_loop3A_126, %broadcast_in_dim3A_24 : vector<16xi32>
      %parallel_loop3A_132 = arith.shrui %parallel_loop3A_131, %broadcast_in_dim3A_26 : vector<16xi32>
      %parallel_loop3A_133 = arith.muli %parallel_loop3A_132, %broadcast_in_dim3A_12 : vector<16xi32>
      %parallel_loop3A_134 = arith.subi %parallel_loop3A_126, %parallel_loop3A_133 : vector<16xi32>
      %parallel_loop3A_135 = arith.cmpi sge, %parallel_loop3A_134, %broadcast_in_dim3A_16 : vector<16xi32>
      %parallel_loop3A_136 = arith.muli %parallel_loop3A_132, %broadcast_in_dim3A_14 : vector<16xi32>
      %parallel_loop3A_137 = arith.subi %parallel_loop3A_134, %broadcast_in_dim3A_16 : vector<16xi32>
      %parallel_loop3A_138 = arith.addi %parallel_loop3A_136, %parallel_loop3A_137 : vector<16xi32>
      %parallel_loop3A_139 = arith.select %parallel_loop3A_135, %broadcast_in_dim3A_20, %broadcast_in_dim3A_18 : vector<16xi1>, vector<16xi32>
      %parallel_loop3A_140 = arith.constant true
      %parallel_loop3A_141 = vector.broadcast %parallel_loop3A_140 : i1 to vector<16xi1>
      %parallel_loop3A_142 = tpu.scan <sum>, %parallel_loop3A_139 masked %parallel_loop3A_141 : vector<16xi32>, vector<16xi1> -> vector<16xi32>
      %parallel_loop3A_143 = vector.broadcast %parallel_loop3A_122 : i32 to vector<16xi32>
      %parallel_loop3A_144 = arith.addi %parallel_loop3A_143, %parallel_loop3A_142 : vector<16xi32>
      %parallel_loop3A_145 = arith.subi %parallel_loop3A_144, %broadcast_in_dim3A_20 : vector<16xi32>
      %parallel_loop3A_146 = arith.select %parallel_loop3A_135, %parallel_loop3A_145, %broadcast_in_dim3A_22 : vector<16xi1>, vector<16xi32>
      tpu.vector_store_idx %arg8[%parallel_loop3A_146], %parallel_loop3A_130 : memref<10256xi32, #tpu.memory_space<vmem>>[vector<16xi32>], vector<16xi32>,
      tpu.vector_store_idx %arg9[%parallel_loop3A_146], %parallel_loop3A_138 : memref<10256xi32, #tpu.memory_space<vmem>>[vector<16xi32>], vector<16xi32>,
      %parallel_loop3A_147 = tpu.all_reduce %parallel_loop3A_135 {dim = 0 : i64, kind = #tpu.reduction_kind<sum>} : vector<16xi1> -> vector<16xi32>
      %parallel_loop3A_148 = vector.extract_strided_slice %parallel_loop3A_147 {offsets = [0], sizes = [1], strides = [1]} : vector<16xi32> to vector<1xi32>
      %parallel_loop3A_149 = vector.extract %parallel_loop3A_148[0] : i32 from vector<1xi32>
      %parallel_loop3A_150 = arith.addi %parallel_loop3A_122, %parallel_loop3A_149 : i32
      scf.yield %parallel_loop3A_150 : i32
    } {sc.loop_unroll_factor = 8 : i64, sc.parallel_access}
    %broadcast_in_dim3A_31 = arith.constant 0 : i32
    %broadcast_in_dim3A_32 = vector.broadcast %broadcast_in_dim3A_31 : i32 to vector<16xi32>
    %broadcast_in_dim3A_33 = arith.constant 100 : i32
    %broadcast_in_dim3A_34 = vector.broadcast %broadcast_in_dim3A_33 : i32 to vector<16xi32>
    %add3A_35 = arith.constant 0 : i32
    %add3A_36 = arith.addi %parallel_loop3A_30, %add3A_35 : i32
    %swap3A = arith.index_cast %add3A_36 : i32 to index
    %swap3A_37 = tpu.vector_load %arg8[%swap3A] {strides = array<i32>} : memref<10256xi32, #tpu.memory_space<vmem>>, vector<16xi32>,
    tpu.vector_store %arg8[%swap3A], %broadcast_in_dim3A_32 {strides = array<i32>} : memref<10256xi32, #tpu.memory_space<vmem>>, vector<16xi32>,
    %add3A_38 = arith.constant 0 : i32
    %add3A_39 = arith.addi %parallel_loop3A_30, %add3A_38 : i32
    %swap3A_40 = arith.index_cast %add3A_39 : i32 to index
    %swap3A_41 = tpu.vector_load %arg9[%swap3A_40] {strides = array<i32>} : memref<10256xi32, #tpu.memory_space<vmem>>, vector<16xi32>,
    tpu.vector_store %arg9[%swap3A_40], %broadcast_in_dim3A_34 {strides = array<i32>} : memref<10256xi32, #tpu.memory_space<vmem>>, vector<16xi32>,
    %add3A_42 = arith.constant 16 : i32
    %add3A_43 = arith.addi %parallel_loop3A_30, %add3A_42 : i32
    %swap3A_44 = arith.index_cast %add3A_43 : i32 to index
    %swap3A_45 = tpu.vector_load %arg8[%swap3A_44] {strides = array<i32>} : memref<10256xi32, #tpu.memory_space<vmem>>, vector<16xi32>,
    tpu.vector_store %arg8[%swap3A_44], %broadcast_in_dim3A_32 {strides = array<i32>} : memref<10256xi32, #tpu.memory_space<vmem>>, vector<16xi32>,
    %add3A_46 = arith.constant 16 : i32
    %add3A_47 = arith.addi %parallel_loop3A_30, %add3A_46 : i32
    %swap3A_48 = arith.index_cast %add3A_47 : i32 to index
    %swap3A_49 = tpu.vector_load %arg9[%swap3A_48] {strides = array<i32>} : memref<10256xi32, #tpu.memory_space<vmem>>, vector<16xi32>,
    tpu.vector_store %arg9[%swap3A_48], %broadcast_in_dim3A_34 {strides = array<i32>} : memref<10256xi32, #tpu.memory_space<vmem>>, vector<16xi32>,
    %add3A_50 = arith.constant 32 : i32
    %add3A_51 = arith.addi %parallel_loop3A_30, %add3A_50 : i32
    %swap3A_52 = arith.index_cast %add3A_51 : i32 to index
    %swap3A_53 = tpu.vector_load %arg8[%swap3A_52] {strides = array<i32>} : memref<10256xi32, #tpu.memory_space<vmem>>, vector<16xi32>,
    tpu.vector_store %arg8[%swap3A_52], %broadcast_in_dim3A_32 {strides = array<i32>} : memref<10256xi32, #tpu.memory_space<vmem>>, vector<16xi32>,
    %add3A_54 = arith.constant 32 : i32
    %add3A_55 = arith.addi %parallel_loop3A_30, %add3A_54 : i32
    %swap3A_56 = arith.index_cast %add3A_55 : i32 to index
    %swap3A_57 = tpu.vector_load %arg9[%swap3A_56] {strides = array<i32>} : memref<10256xi32, #tpu.memory_space<vmem>>, vector<16xi32>,
    tpu.vector_store %arg9[%swap3A_56], %broadcast_in_dim3A_34 {strides = array<i32>} : memref<10256xi32, #tpu.memory_space<vmem>>, vector<16xi32>,
    %add3A_58 = arith.constant 48 : i32
    %add3A_59 = arith.addi %parallel_loop3A_30, %add3A_58 : i32
    %swap3A_60 = arith.index_cast %add3A_59 : i32 to index
    %swap3A_61 = tpu.vector_load %arg8[%swap3A_60] {strides = array<i32>} : memref<10256xi32, #tpu.memory_space<vmem>>, vector<16xi32>,
    tpu.vector_store %arg8[%swap3A_60], %broadcast_in_dim3A_32 {strides = array<i32>} : memref<10256xi32, #tpu.memory_space<vmem>>, vector<16xi32>,
    %add3A_62 = arith.constant 48 : i32
    %add3A_63 = arith.addi %parallel_loop3A_30, %add3A_62 : i32
    %swap3A_64 = arith.index_cast %add3A_63 : i32 to index
    %swap3A_65 = tpu.vector_load %arg9[%swap3A_64] {strides = array<i32>} : memref<10256xi32, #tpu.memory_space<vmem>>, vector<16xi32>,
    tpu.vector_store %arg9[%swap3A_64], %broadcast_in_dim3A_34 {strides = array<i32>} : memref<10256xi32, #tpu.memory_space<vmem>>, vector<16xi32>,
    %add3A_66 = arith.constant 64 : i32
    %add3A_67 = arith.addi %parallel_loop3A_30, %add3A_66 : i32
    %swap3A_68 = arith.index_cast %add3A_67 : i32 to index
    %swap3A_69 = tpu.vector_load %arg8[%swap3A_68] {strides = array<i32>} : memref<10256xi32, #tpu.memory_space<vmem>>, vector<16xi32>,
    tpu.vector_store %arg8[%swap3A_68], %broadcast_in_dim3A_32 {strides = array<i32>} : memref<10256xi32, #tpu.memory_space<vmem>>, vector<16xi32>,
    %add3A_70 = arith.constant 64 : i32
    %add3A_71 = arith.addi %parallel_loop3A_30, %add3A_70 : i32
    %swap3A_72 = arith.index_cast %add3A_71 : i32 to index
    %swap3A_73 = tpu.vector_load %arg9[%swap3A_72] {strides = array<i32>} : memref<10256xi32, #tpu.memory_space<vmem>>, vector<16xi32>,
    tpu.vector_store %arg9[%swap3A_72], %broadcast_in_dim3A_34 {strides = array<i32>} : memref<10256xi32, #tpu.memory_space<vmem>>, vector<16xi32>,
    %add3A_74 = arith.constant 80 : i32
    %add3A_75 = arith.addi %parallel_loop3A_30, %add3A_74 : i32
    %swap3A_76 = arith.index_cast %add3A_75 : i32 to index
    %swap3A_77 = tpu.vector_load %arg8[%swap3A_76] {strides = array<i32>} : memref<10256xi32, #tpu.memory_space<vmem>>, vector<16xi32>,
    tpu.vector_store %arg8[%swap3A_76], %broadcast_in_dim3A_32 {strides = array<i32>} : memref<10256xi32, #tpu.memory_space<vmem>>, vector<16xi32>,
    %add3A_78 = arith.constant 80 : i32
    %add3A_79 = arith.addi %parallel_loop3A_30, %add3A_78 : i32
    %swap3A_80 = arith.index_cast %add3A_79 : i32 to index
    %swap3A_81 = tpu.vector_load %arg9[%swap3A_80] {strides = array<i32>} : memref<10256xi32, #tpu.memory_space<vmem>>, vector<16xi32>,
    tpu.vector_store %arg9[%swap3A_80], %broadcast_in_dim3A_34 {strides = array<i32>} : memref<10256xi32, #tpu.memory_space<vmem>>, vector<16xi32>,
    %add3A_82 = arith.constant 96 : i32
    %add3A_83 = arith.addi %parallel_loop3A_30, %add3A_82 : i32
    %swap3A_84 = arith.index_cast %add3A_83 : i32 to index
    %swap3A_85 = tpu.vector_load %arg8[%swap3A_84] {strides = array<i32>} : memref<10256xi32, #tpu.memory_space<vmem>>, vector<16xi32>,
    tpu.vector_store %arg8[%swap3A_84], %broadcast_in_dim3A_32 {strides = array<i32>} : memref<10256xi32, #tpu.memory_space<vmem>>, vector<16xi32>,
    %add3A_86 = arith.constant 96 : i32
    %add3A_87 = arith.addi %parallel_loop3A_30, %add3A_86 : i32
    %swap3A_88 = arith.index_cast %add3A_87 : i32 to index
    %swap3A_89 = tpu.vector_load %arg9[%swap3A_88] {strides = array<i32>} : memref<10256xi32, #tpu.memory_space<vmem>>, vector<16xi32>,
    tpu.vector_store %arg9[%swap3A_88], %broadcast_in_dim3A_34 {strides = array<i32>} : memref<10256xi32, #tpu.memory_space<vmem>>, vector<16xi32>,
    %add3A_90 = arith.constant 112 : i32
    %add3A_91 = arith.addi %parallel_loop3A_30, %add3A_90 : i32
    %swap3A_92 = arith.index_cast %add3A_91 : i32 to index
    %swap3A_93 = tpu.vector_load %arg8[%swap3A_92] {strides = array<i32>} : memref<10256xi32, #tpu.memory_space<vmem>>, vector<16xi32>,
    tpu.vector_store %arg8[%swap3A_92], %broadcast_in_dim3A_32 {strides = array<i32>} : memref<10256xi32, #tpu.memory_space<vmem>>, vector<16xi32>,
    %add3A_94 = arith.constant 112 : i32
    %add3A_95 = arith.addi %parallel_loop3A_30, %add3A_94 : i32
    %swap3A_96 = arith.index_cast %add3A_95 : i32 to index
    %swap3A_97 = tpu.vector_load %arg9[%swap3A_96] {strides = array<i32>} : memref<10256xi32, #tpu.memory_space<vmem>>, vector<16xi32>,
    tpu.vector_store %arg9[%swap3A_96], %broadcast_in_dim3A_34 {strides = array<i32>} : memref<10256xi32, #tpu.memory_space<vmem>>, vector<16xi32>,
    %add3A_98 = arith.constant 127 : i32
    %add3A_99 = arith.addi %parallel_loop3A_30, %add3A_98 : i32
    %div3A = arith.constant 128 : i32
    %div3A_100 = arith.divsi %add3A_99, %div3A : i32
    %barrier3A = arith.constant 0 : index
    tpu.barrier barrier_id(%barrier3A)
    %broadcast_in_dim3A_101 = arith.constant 16 : i32
    %broadcast_in_dim3A_102 = vector.broadcast %broadcast_in_dim3A_101 : i32 to vector<16xi32>
    %broadcast_in_dim3A_103 = arith.constant -65536 : i32
    %broadcast_in_dim3A_104 = vector.broadcast %broadcast_in_dim3A_103 : i32 to vector<16xi32>
    %broadcast_in_dim3A_105 = arith.constant 1 : i32
    %broadcast_in_dim3A_106 = vector.broadcast %broadcast_in_dim3A_105 : i32 to vector<16xi32>
    %while3A = arith.constant 0 : i32
    %while3A_107 = arith.constant 0 : i32
    %while3A_108 = arith.subi %div3A_100, %while3A_107 : i32
    %while3A_109 = arith.addi %while3A_107, %while3A_108 : i32
    %while3A_110 = arith.constant 1 : i32
    %while3A_111 = arith.divsi %while3A_108, %while3A_110 : i32
    %while3A_112 = arith.muli %while3A_111, %while3A_110 : i32
    %while3A_113 = arith.addi %while3A_107, %while3A_112 : i32
    %while3A_114 = arith.constant 1 : i32
    scf.for %while3A_121 = %while3A_107 to %while3A_113 step %while3A_114  : i32 {
      %mul3A_122 = arith.constant 128 : i32
      %mul3A_123 = arith.muli %while3A_121, %mul3A_122 : i32
      %add3A_124 = arith.constant 0 : i32
      %add3A_125 = arith.addi %mul3A_123, %add3A_124 : i32
      %get3A = arith.index_cast %add3A_125 : i32 to index
      %get3A_126 = tpu.vector_load %arg8[%get3A] {strides = array<i32>} : memref<10256xi32, #tpu.memory_space<vmem>>, vector<16xi32>,
      %swap3A_127 = arith.constant 0 : index
      %swap3A_128 = tpu.vector_load %arg10[%swap3A_127] {strides = array<i32>} : memref<144xi32, #tpu.memory_space<vmem>>, vector<16xi32>,
      tpu.vector_store %arg10[%swap3A_127], %get3A_126 {strides = array<i32>} : memref<144xi32, #tpu.memory_space<vmem>>, vector<16xi32>,
      %shift_right_logical3A = arith.shrui %get3A_126, %broadcast_in_dim3A_106 : vector<16xi32>
      %swap3A_129 = arith.constant 0 : index
      %swap3A_130 = tpu.vector_load %arg12[%swap3A_129] {strides = array<i32>} : memref<128xi32, #tpu.memory_space<vmem>>, vector<16xi32>,
      tpu.vector_store %arg12[%swap3A_129], %shift_right_logical3A {strides = array<i32>} : memref<128xi32, #tpu.memory_space<vmem>>, vector<16xi32>,
      %mul3A_131 = arith.constant 128 : i32
      %mul3A_132 = arith.muli %while3A_121, %mul3A_131 : i32
      %add3A_133 = arith.constant 0 : i32
      %add3A_134 = arith.addi %mul3A_132, %add3A_133 : i32
      %get3A_135 = arith.index_cast %add3A_134 : i32 to index
      %get3A_136 = tpu.vector_load %arg9[%get3A_135] {strides = array<i32>} : memref<10256xi32, #tpu.memory_space<vmem>>, vector<16xi32>,
      %swap3A_137 = arith.constant 0 : index
      %swap3A_138 = tpu.vector_load %arg11[%swap3A_137] {strides = array<i32>} : memref<128xi32, #tpu.memory_space<vmem>>, vector<16xi32>,
      tpu.vector_store %arg11[%swap3A_137], %get3A_136 {strides = array<i32>} : memref<128xi32, #tpu.memory_space<vmem>>, vector<16xi32>,
      %mul3A_139 = arith.constant 128 : i32
      %mul3A_140 = arith.muli %while3A_121, %mul3A_139 : i32
      %add3A_141 = arith.constant 16 : i32
      %add3A_142 = arith.addi %mul3A_140, %add3A_141 : i32
      %get3A_143 = arith.index_cast %add3A_142 : i32 to index
      %get3A_144 = tpu.vector_load %arg8[%get3A_143] {strides = array<i32>} : memref<10256xi32, #tpu.memory_space<vmem>>, vector<16xi32>,
      %swap3A_145 = arith.constant 16 : index
      %swap3A_146 = tpu.vector_load %arg10[%swap3A_145] {strides = array<i32>} : memref<144xi32, #tpu.memory_space<vmem>>, vector<16xi32>,
      tpu.vector_store %arg10[%swap3A_145], %get3A_144 {strides = array<i32>} : memref<144xi32, #tpu.memory_space<vmem>>, vector<16xi32>,
      %shift_right_logical3A_147 = arith.shrui %get3A_144, %broadcast_in_dim3A_106 : vector<16xi32>
      %swap3A_148 = arith.constant 16 : index
      %swap3A_149 = tpu.vector_load %arg12[%swap3A_148] {strides = array<i32>} : memref<128xi32, #tpu.memory_space<vmem>>, vector<16xi32>,
      tpu.vector_store %arg12[%swap3A_148], %shift_right_logical3A_147 {strides = array<i32>} : memref<128xi32, #tpu.memory_space<vmem>>, vector<16xi32>,
      %mul3A_150 = arith.constant 128 : i32
      %mul3A_151 = arith.muli %while3A_121, %mul3A_150 : i32
      %add3A_152 = arith.constant 16 : i32
      %add3A_153 = arith.addi %mul3A_151, %add3A_152 : i32
      %get3A_154 = arith.index_cast %add3A_153 : i32 to index
      %get3A_155 = tpu.vector_load %arg9[%get3A_154] {strides = array<i32>} : memref<10256xi32, #tpu.memory_space<vmem>>, vector<16xi32>,
      %swap3A_156 = arith.constant 16 : index
      %swap3A_157 = tpu.vector_load %arg11[%swap3A_156] {strides = array<i32>} : memref<128xi32, #tpu.memory_space<vmem>>, vector<16xi32>,
      tpu.vector_store %arg11[%swap3A_156], %get3A_155 {strides = array<i32>} : memref<128xi32, #tpu.memory_space<vmem>>, vector<16xi32>,
      %mul3A_158 = arith.constant 128 : i32
      %mul3A_159 = arith.muli %while3A_121, %mul3A_158 : i32
      %add3A_160 = arith.constant 32 : i32
      %add3A_161 = arith.addi %mul3A_159, %add3A_160 : i32
      %get3A_162 = arith.index_cast %add3A_161 : i32 to index
      %get3A_163 = tpu.vector_load %arg8[%get3A_162] {strides = array<i32>} : memref<10256xi32, #tpu.memory_space<vmem>>, vector<16xi32>,
      %swap3A_164 = arith.constant 32 : index
      %swap3A_165 = tpu.vector_load %arg10[%swap3A_164] {strides = array<i32>} : memref<144xi32, #tpu.memory_space<vmem>>, vector<16xi32>,
      tpu.vector_store %arg10[%swap3A_164], %get3A_163 {strides = array<i32>} : memref<144xi32, #tpu.memory_space<vmem>>, vector<16xi32>,
      %shift_right_logical3A_166 = arith.shrui %get3A_163, %broadcast_in_dim3A_106 : vector<16xi32>
      %swap3A_167 = arith.constant 32 : index
      %swap3A_168 = tpu.vector_load %arg12[%swap3A_167] {strides = array<i32>} : memref<128xi32, #tpu.memory_space<vmem>>, vector<16xi32>,
      tpu.vector_store %arg12[%swap3A_167], %shift_right_logical3A_166 {strides = array<i32>} : memref<128xi32, #tpu.memory_space<vmem>>, vector<16xi32>,
      %mul3A_169 = arith.constant 128 : i32
      %mul3A_170 = arith.muli %while3A_121, %mul3A_169 : i32
      %add3A_171 = arith.constant 32 : i32
      %add3A_172 = arith.addi %mul3A_170, %add3A_171 : i32
      %get3A_173 = arith.index_cast %add3A_172 : i32 to index
      %get3A_174 = tpu.vector_load %arg9[%get3A_173] {strides = array<i32>} : memref<10256xi32, #tpu.memory_space<vmem>>, vector<16xi32>,
      %swap3A_175 = arith.constant 32 : index
      %swap3A_176 = tpu.vector_load %arg11[%swap3A_175] {strides = array<i32>} : memref<128xi32, #tpu.memory_space<vmem>>, vector<16xi32>,
      tpu.vector_store %arg11[%swap3A_175], %get3A_174 {strides = array<i32>} : memref<128xi32, #tpu.memory_space<vmem>>, vector<16xi32>,
      %mul3A_177 = arith.constant 128 : i32
      %mul3A_178 = arith.muli %while3A_121, %mul3A_177 : i32
      %add3A_179 = arith.constant 48 : i32
      %add3A_180 = arith.addi %mul3A_178, %add3A_179 : i32
      %get3A_181 = arith.index_cast %add3A_180 : i32 to index
      %get3A_182 = tpu.vector_load %arg8[%get3A_181] {strides = array<i32>} : memref<10256xi32, #tpu.memory_space<vmem>>, vector<16xi32>,
      %swap3A_183 = arith.constant 48 : index
      %swap3A_184 = tpu.vector_load %arg10[%swap3A_183] {strides = array<i32>} : memref<144xi32, #tpu.memory_space<vmem>>, vector<16xi32>,
      tpu.vector_store %arg10[%swap3A_183], %get3A_182 {strides = array<i32>} : memref<144xi32, #tpu.memory_space<vmem>>, vector<16xi32>,
      %shift_right_logical3A_185 = arith.shrui %get3A_182, %broadcast_in_dim3A_106 : vector<16xi32>
      %swap3A_186 = arith.constant 48 : index
      %swap3A_187 = tpu.vector_load %arg12[%swap3A_186] {strides = array<i32>} : memref<128xi32, #tpu.memory_space<vmem>>, vector<16xi32>,
      tpu.vector_store %arg12[%swap3A_186], %shift_right_logical3A_185 {strides = array<i32>} : memref<128xi32, #tpu.memory_space<vmem>>, vector<16xi32>,
      %mul3A_188 = arith.constant 128 : i32
      %mul3A_189 = arith.muli %while3A_121, %mul3A_188 : i32
      %add3A_190 = arith.constant 48 : i32
      %add3A_191 = arith.addi %mul3A_189, %add3A_190 : i32
      %get3A_192 = arith.index_cast %add3A_191 : i32 to index
      %get3A_193 = tpu.vector_load %arg9[%get3A_192] {strides = array<i32>} : memref<10256xi32, #tpu.memory_space<vmem>>, vector<16xi32>,
      %swap3A_194 = arith.constant 48 : index
      %swap3A_195 = tpu.vector_load %arg11[%swap3A_194] {strides = array<i32>} : memref<128xi32, #tpu.memory_space<vmem>>, vector<16xi32>,
      tpu.vector_store %arg11[%swap3A_194], %get3A_193 {strides = array<i32>} : memref<128xi32, #tpu.memory_space<vmem>>, vector<16xi32>,
      %mul3A_196 = arith.constant 128 : i32
      %mul3A_197 = arith.muli %while3A_121, %mul3A_196 : i32
      %add3A_198 = arith.constant 64 : i32
      %add3A_199 = arith.addi %mul3A_197, %add3A_198 : i32
      %get3A_200 = arith.index_cast %add3A_199 : i32 to index
      %get3A_201 = tpu.vector_load %arg8[%get3A_200] {strides = array<i32>} : memref<10256xi32, #tpu.memory_space<vmem>>, vector<16xi32>,
      %swap3A_202 = arith.constant 64 : index
      %swap3A_203 = tpu.vector_load %arg10[%swap3A_202] {strides = array<i32>} : memref<144xi32, #tpu.memory_space<vmem>>, vector<16xi32>,
      tpu.vector_store %arg10[%swap3A_202], %get3A_201 {strides = array<i32>} : memref<144xi32, #tpu.memory_space<vmem>>, vector<16xi32>,
      %shift_right_logical3A_204 = arith.shrui %get3A_201, %broadcast_in_dim3A_106 : vector<16xi32>
      %swap3A_205 = arith.constant 64 : index
      %swap3A_206 = tpu.vector_load %arg12[%swap3A_205] {strides = array<i32>} : memref<128xi32, #tpu.memory_space<vmem>>, vector<16xi32>,
      tpu.vector_store %arg12[%swap3A_205], %shift_right_logical3A_204 {strides = array<i32>} : memref<128xi32, #tpu.memory_space<vmem>>, vector<16xi32>,
      %mul3A_207 = arith.constant 128 : i32
      %mul3A_208 = arith.muli %while3A_121, %mul3A_207 : i32
      %add3A_209 = arith.constant 64 : i32
      %add3A_210 = arith.addi %mul3A_208, %add3A_209 : i32
      %get3A_211 = arith.index_cast %add3A_210 : i32 to index
      %get3A_212 = tpu.vector_load %arg9[%get3A_211] {strides = array<i32>} : memref<10256xi32, #tpu.memory_space<vmem>>, vector<16xi32>,
      %swap3A_213 = arith.constant 64 : index
      %swap3A_214 = tpu.vector_load %arg11[%swap3A_213] {strides = array<i32>} : memref<128xi32, #tpu.memory_space<vmem>>, vector<16xi32>,
      tpu.vector_store %arg11[%swap3A_213], %get3A_212 {strides = array<i32>} : memref<128xi32, #tpu.memory_space<vmem>>, vector<16xi32>,
      %mul3A_215 = arith.constant 128 : i32
      %mul3A_216 = arith.muli %while3A_121, %mul3A_215 : i32
      %add3A_217 = arith.constant 80 : i32
      %add3A_218 = arith.addi %mul3A_216, %add3A_217 : i32
      %get3A_219 = arith.index_cast %add3A_218 : i32 to index
      %get3A_220 = tpu.vector_load %arg8[%get3A_219] {strides = array<i32>} : memref<10256xi32, #tpu.memory_space<vmem>>, vector<16xi32>,
      %swap3A_221 = arith.constant 80 : index
      %swap3A_222 = tpu.vector_load %arg10[%swap3A_221] {strides = array<i32>} : memref<144xi32, #tpu.memory_space<vmem>>, vector<16xi32>,
      tpu.vector_store %arg10[%swap3A_221], %get3A_220 {strides = array<i32>} : memref<144xi32, #tpu.memory_space<vmem>>, vector<16xi32>,
      %shift_right_logical3A_223 = arith.shrui %get3A_220, %broadcast_in_dim3A_106 : vector<16xi32>
      %swap3A_224 = arith.constant 80 : index
      %swap3A_225 = tpu.vector_load %arg12[%swap3A_224] {strides = array<i32>} : memref<128xi32, #tpu.memory_space<vmem>>, vector<16xi32>,
      tpu.vector_store %arg12[%swap3A_224], %shift_right_logical3A_223 {strides = array<i32>} : memref<128xi32, #tpu.memory_space<vmem>>, vector<16xi32>,
      %mul3A_226 = arith.constant 128 : i32
      %mul3A_227 = arith.muli %while3A_121, %mul3A_226 : i32
      %add3A_228 = arith.constant 80 : i32
      %add3A_229 = arith.addi %mul3A_227, %add3A_228 : i32
      %get3A_230 = arith.index_cast %add3A_229 : i32 to index
      %get3A_231 = tpu.vector_load %arg9[%get3A_230] {strides = array<i32>} : memref<10256xi32, #tpu.memory_space<vmem>>, vector<16xi32>,
      %swap3A_232 = arith.constant 80 : index
      %swap3A_233 = tpu.vector_load %arg11[%swap3A_232] {strides = array<i32>} : memref<128xi32, #tpu.memory_space<vmem>>, vector<16xi32>,
      tpu.vector_store %arg11[%swap3A_232], %get3A_231 {strides = array<i32>} : memref<128xi32, #tpu.memory_space<vmem>>, vector<16xi32>,
      %mul3A_234 = arith.constant 128 : i32
      %mul3A_235 = arith.muli %while3A_121, %mul3A_234 : i32
      %add3A_236 = arith.constant 96 : i32
      %add3A_237 = arith.addi %mul3A_235, %add3A_236 : i32
      %get3A_238 = arith.index_cast %add3A_237 : i32 to index
      %get3A_239 = tpu.vector_load %arg8[%get3A_238] {strides = array<i32>} : memref<10256xi32, #tpu.memory_space<vmem>>, vector<16xi32>,
      %swap3A_240 = arith.constant 96 : index
      %swap3A_241 = tpu.vector_load %arg10[%swap3A_240] {strides = array<i32>} : memref<144xi32, #tpu.memory_space<vmem>>, vector<16xi32>,
      tpu.vector_store %arg10[%swap3A_240], %get3A_239 {strides = array<i32>} : memref<144xi32, #tpu.memory_space<vmem>>, vector<16xi32>,
      %shift_right_logical3A_242 = arith.shrui %get3A_239, %broadcast_in_dim3A_106 : vector<16xi32>
      %swap3A_243 = arith.constant 96 : index
      %swap3A_244 = tpu.vector_load %arg12[%swap3A_243] {strides = array<i32>} : memref<128xi32, #tpu.memory_space<vmem>>, vector<16xi32>,
      tpu.vector_store %arg12[%swap3A_243], %shift_right_logical3A_242 {strides = array<i32>} : memref<128xi32, #tpu.memory_space<vmem>>, vector<16xi32>,
      %mul3A_245 = arith.constant 128 : i32
      %mul3A_246 = arith.muli %while3A_121, %mul3A_245 : i32
      %add3A_247 = arith.constant 96 : i32
      %add3A_248 = arith.addi %mul3A_246, %add3A_247 : i32
      %get3A_249 = arith.index_cast %add3A_248 : i32 to index
      %get3A_250 = tpu.vector_load %arg9[%get3A_249] {strides = array<i32>} : memref<10256xi32, #tpu.memory_space<vmem>>, vector<16xi32>,
      %swap3A_251 = arith.constant 96 : index
      %swap3A_252 = tpu.vector_load %arg11[%swap3A_251] {strides = array<i32>} : memref<128xi32, #tpu.memory_space<vmem>>, vector<16xi32>,
      tpu.vector_store %arg11[%swap3A_251], %get3A_250 {strides = array<i32>} : memref<128xi32, #tpu.memory_space<vmem>>, vector<16xi32>,
      %mul3A_253 = arith.constant 128 : i32
      %mul3A_254 = arith.muli %while3A_121, %mul3A_253 : i32
      %add3A_255 = arith.constant 112 : i32
      %add3A_256 = arith.addi %mul3A_254, %add3A_255 : i32
      %get3A_257 = arith.index_cast %add3A_256 : i32 to index
      %get3A_258 = tpu.vector_load %arg8[%get3A_257] {strides = array<i32>} : memref<10256xi32, #tpu.memory_space<vmem>>, vector<16xi32>,
      %swap3A_259 = arith.constant 112 : index
      %swap3A_260 = tpu.vector_load %arg10[%swap3A_259] {strides = array<i32>} : memref<144xi32, #tpu.memory_space<vmem>>, vector<16xi32>,
      tpu.vector_store %arg10[%swap3A_259], %get3A_258 {strides = array<i32>} : memref<144xi32, #tpu.memory_space<vmem>>, vector<16xi32>,
      %shift_right_logical3A_261 = arith.shrui %get3A_258, %broadcast_in_dim3A_106 : vector<16xi32>
      %swap3A_262 = arith.constant 112 : index
      %swap3A_263 = tpu.vector_load %arg12[%swap3A_262] {strides = array<i32>} : memref<128xi32, #tpu.memory_space<vmem>>, vector<16xi32>,
      tpu.vector_store %arg12[%swap3A_262], %shift_right_logical3A_261 {strides = array<i32>} : memref<128xi32, #tpu.memory_space<vmem>>, vector<16xi32>,
      %mul3A_264 = arith.constant 128 : i32
      %mul3A_265 = arith.muli %while3A_121, %mul3A_264 : i32
      %add3A_266 = arith.constant 112 : i32
      %add3A_267 = arith.addi %mul3A_265, %add3A_266 : i32
      %get3A_268 = arith.index_cast %add3A_267 : i32 to index
      %get3A_269 = tpu.vector_load %arg9[%get3A_268] {strides = array<i32>} : memref<10256xi32, #tpu.memory_space<vmem>>, vector<16xi32>,
      %swap3A_270 = arith.constant 112 : index
      %swap3A_271 = tpu.vector_load %arg11[%swap3A_270] {strides = array<i32>} : memref<128xi32, #tpu.memory_space<vmem>>, vector<16xi32>,
      tpu.vector_store %arg11[%swap3A_270], %get3A_269 {strides = array<i32>} : memref<128xi32, #tpu.memory_space<vmem>>, vector<16xi32>,
      %dma_start3A = arith.constant 0 : i32
      %dma_start3A_272 = arith.constant 0 : i32
      %dma_start3A_273 = tpu.memref_slice %arg17[%dma_start3A, %dma_start3A_272] : memref<5000x128xi32, #tpu.memory_space<vmem_shared>> -> memref<5000x128xi32, #tpu.memory_space<vmem_shared>>
      tpu.enqueue_indirect_dma source(%dma_start3A_273 : memref<5000x128xi32, #tpu.memory_space<vmem_shared>>) target(%arg13 : memref<128x128xi32, #tpu.memory_space<vmem>>) offsets(%arg12 : memref<128xi32, #tpu.memory_space<vmem>>) semaphore(%arg18 : memref<!tpu.dma_semaphore, #tpu.memory_space<semaphore_mem>>)
      %dma_wait3A = arith.constant 0 : i32
      %dma_wait3A_274 = arith.constant 0 : i32
      %dma_wait3A_275 = tpu.memref_slice %arg17[%dma_wait3A, %dma_wait3A_274] : memref<5000x128xi32, #tpu.memory_space<vmem_shared>> -> memref<5000x128xi32, #tpu.memory_space<vmem_shared>>
      tpu.wait_indirect_dma semaphore(%arg18 : memref<!tpu.dma_semaphore, #tpu.memory_space<semaphore_mem>>) src(%dma_wait3A_275 : memref<5000x128xi32, #tpu.memory_space<vmem_shared>>) dst(%arg13 : memref<128x128xi32, #tpu.memory_space<vmem>>)
      %scan3A = arith.constant 0 : i32
      %scan3A_276 = arith.constant 0 : i32
      %scan3A_277 = arith.constant 128 : i32
      %scan3A_278 = arith.addi %scan3A_276, %scan3A_277 : i32
      %scan3A_279 = arith.constant 1 : i32
      scf.for %scan3A_281 = %scan3A_276 to %scan3A_278 step %scan3A_279  : i32 {
        %get3A_282 = arith.index_cast %scan3A_281 : i32 to index
        %get3A_283 = tpu.vector_load %arg10[%get3A_282] {strides = array<i32>} : memref<144xi32, #tpu.memory_space<vmem>>, vector<16xi32>,
        %slice3A = vector.extract_strided_slice %get3A_283 {offsets = [0], sizes = [1], strides = [1]} : vector<16xi32> to vector<1xi32>
        %squeeze3A = vector.extract %slice3A[0] : i32 from vector<1xi32>
        %and3A = arith.constant 1 : i32
        %and3A_284 = arith.andi %squeeze3A, %and3A : i32
        %sub3A = arith.constant 1 : i32
        %sub3A_285 = arith.subi %sub3A, %and3A_284 : i32
        %mul3A_286 = arith.constant 16 : i32
        %mul3A_287 = arith.muli %sub3A_285, %mul3A_286 : i32
        %broadcast_in_dim3A_288 = vector.broadcast %mul3A_287 : i32 to vector<16xi32>
        %get3A_289 = arith.index_cast %scan3A_281 : i32 to index
        %get3A_290 = arith.constant 0 : index
        %get3A_291 = tpu.vector_load %arg13[%get3A_289, %get3A_290] {strides = array<i32>} : memref<128x128xi32, #tpu.memory_space<vmem>>, vector<16xi32>,
        %shift_left3A = arith.shli %get3A_291, %broadcast_in_dim3A_288 : vector<16xi32>
        %and3A_292 = arith.andi %shift_left3A, %broadcast_in_dim3A_104 : vector<16xi32>
        %bitcast3A = vector.bitcast %and3A_292 : vector<16xi32> to vector<16xf32>
        %swap3A_293 = arith.index_cast %scan3A_281 : i32 to index
        %swap3A_294 = arith.constant 0 : index
        %swap3A_295 = tpu.vector_load %arg14[%swap3A_293, %swap3A_294] {strides = array<i32>} : memref<128x128xf32, #tpu.memory_space<vmem>>, vector<16xf32>,
        tpu.vector_store %arg14[%swap3A_293, %swap3A_294], %bitcast3A {strides = array<i32>} : memref<128x128xf32, #tpu.memory_space<vmem>>, vector<16xf32>,
        %get3A_296 = arith.index_cast %scan3A_281 : i32 to index
        %get3A_297 = arith.constant 16 : index
        %get3A_298 = tpu.vector_load %arg13[%get3A_296, %get3A_297] {strides = array<i32>} : memref<128x128xi32, #tpu.memory_space<vmem>>, vector<16xi32>,
        %shift_left3A_299 = arith.shli %get3A_298, %broadcast_in_dim3A_288 : vector<16xi32>
        %and3A_300 = arith.andi %shift_left3A_299, %broadcast_in_dim3A_104 : vector<16xi32>
        %bitcast3A_301 = vector.bitcast %and3A_300 : vector<16xi32> to vector<16xf32>
        %swap3A_302 = arith.index_cast %scan3A_281 : i32 to index
        %swap3A_303 = arith.constant 16 : index
        %swap3A_304 = tpu.vector_load %arg14[%swap3A_302, %swap3A_303] {strides = array<i32>} : memref<128x128xf32, #tpu.memory_space<vmem>>, vector<16xf32>,
        tpu.vector_store %arg14[%swap3A_302, %swap3A_303], %bitcast3A_301 {strides = array<i32>} : memref<128x128xf32, #tpu.memory_space<vmem>>, vector<16xf32>,
        %get3A_305 = arith.index_cast %scan3A_281 : i32 to index
        %get3A_306 = arith.constant 32 : index
        %get3A_307 = tpu.vector_load %arg13[%get3A_305, %get3A_306] {strides = array<i32>} : memref<128x128xi32, #tpu.memory_space<vmem>>, vector<16xi32>,
        %shift_left3A_308 = arith.shli %get3A_307, %broadcast_in_dim3A_288 : vector<16xi32>
        %and3A_309 = arith.andi %shift_left3A_308, %broadcast_in_dim3A_104 : vector<16xi32>
        %bitcast3A_310 = vector.bitcast %and3A_309 : vector<16xi32> to vector<16xf32>
        %swap3A_311 = arith.index_cast %scan3A_281 : i32 to index
        %swap3A_312 = arith.constant 32 : index
        %swap3A_313 = tpu.vector_load %arg14[%swap3A_311, %swap3A_312] {strides = array<i32>} : memref<128x128xf32, #tpu.memory_space<vmem>>, vector<16xf32>,
        tpu.vector_store %arg14[%swap3A_311, %swap3A_312], %bitcast3A_310 {strides = array<i32>} : memref<128x128xf32, #tpu.memory_space<vmem>>, vector<16xf32>,
        %get3A_314 = arith.index_cast %scan3A_281 : i32 to index
        %get3A_315 = arith.constant 48 : index
        %get3A_316 = tpu.vector_load %arg13[%get3A_314, %get3A_315] {strides = array<i32>} : memref<128x128xi32, #tpu.memory_space<vmem>>, vector<16xi32>,
        %shift_left3A_317 = arith.shli %get3A_316, %broadcast_in_dim3A_288 : vector<16xi32>
        %and3A_318 = arith.andi %shift_left3A_317, %broadcast_in_dim3A_104 : vector<16xi32>
        %bitcast3A_319 = vector.bitcast %and3A_318 : vector<16xi32> to vector<16xf32>
        %swap3A_320 = arith.index_cast %scan3A_281 : i32 to index
        %swap3A_321 = arith.constant 48 : index
        %swap3A_322 = tpu.vector_load %arg14[%swap3A_320, %swap3A_321] {strides = array<i32>} : memref<128x128xf32, #tpu.memory_space<vmem>>, vector<16xf32>,
        tpu.vector_store %arg14[%swap3A_320, %swap3A_321], %bitcast3A_319 {strides = array<i32>} : memref<128x128xf32, #tpu.memory_space<vmem>>, vector<16xf32>,
        %get3A_323 = arith.index_cast %scan3A_281 : i32 to index
        %get3A_324 = arith.constant 64 : index
        %get3A_325 = tpu.vector_load %arg13[%get3A_323, %get3A_324] {strides = array<i32>} : memref<128x128xi32, #tpu.memory_space<vmem>>, vector<16xi32>,
        %shift_left3A_326 = arith.shli %get3A_325, %broadcast_in_dim3A_288 : vector<16xi32>
        %and3A_327 = arith.andi %shift_left3A_326, %broadcast_in_dim3A_104 : vector<16xi32>
        %bitcast3A_328 = vector.bitcast %and3A_327 : vector<16xi32> to vector<16xf32>
        %swap3A_329 = arith.index_cast %scan3A_281 : i32 to index
        %swap3A_330 = arith.constant 64 : index
        %swap3A_331 = tpu.vector_load %arg14[%swap3A_329, %swap3A_330] {strides = array<i32>} : memref<128x128xf32, #tpu.memory_space<vmem>>, vector<16xf32>,
        tpu.vector_store %arg14[%swap3A_329, %swap3A_330], %bitcast3A_328 {strides = array<i32>} : memref<128x128xf32, #tpu.memory_space<vmem>>, vector<16xf32>,
        %get3A_332 = arith.index_cast %scan3A_281 : i32 to index
        %get3A_333 = arith.constant 80 : index
        %get3A_334 = tpu.vector_load %arg13[%get3A_332, %get3A_333] {strides = array<i32>} : memref<128x128xi32, #tpu.memory_space<vmem>>, vector<16xi32>,
        %shift_left3A_335 = arith.shli %get3A_334, %broadcast_in_dim3A_288 : vector<16xi32>
        %and3A_336 = arith.andi %shift_left3A_335, %broadcast_in_dim3A_104 : vector<16xi32>
        %bitcast3A_337 = vector.bitcast %and3A_336 : vector<16xi32> to vector<16xf32>
        %swap3A_338 = arith.index_cast %scan3A_281 : i32 to index
        %swap3A_339 = arith.constant 80 : index
        %swap3A_340 = tpu.vector_load %arg14[%swap3A_338, %swap3A_339] {strides = array<i32>} : memref<128x128xf32, #tpu.memory_space<vmem>>, vector<16xf32>,
        tpu.vector_store %arg14[%swap3A_338, %swap3A_339], %bitcast3A_337 {strides = array<i32>} : memref<128x128xf32, #tpu.memory_space<vmem>>, vector<16xf32>,
        %get3A_341 = arith.index_cast %scan3A_281 : i32 to index
        %get3A_342 = arith.constant 96 : index
        %get3A_343 = tpu.vector_load %arg13[%get3A_341, %get3A_342] {strides = array<i32>} : memref<128x128xi32, #tpu.memory_space<vmem>>, vector<16xi32>,
        %shift_left3A_344 = arith.shli %get3A_343, %broadcast_in_dim3A_288 : vector<16xi32>
        %and3A_345 = arith.andi %shift_left3A_344, %broadcast_in_dim3A_104 : vector<16xi32>
        %bitcast3A_346 = vector.bitcast %and3A_345 : vector<16xi32> to vector<16xf32>
        %swap3A_347 = arith.index_cast %scan3A_281 : i32 to index
        %swap3A_348 = arith.constant 96 : index
        %swap3A_349 = tpu.vector_load %arg14[%swap3A_347, %swap3A_348] {strides = array<i32>} : memref<128x128xf32, #tpu.memory_space<vmem>>, vector<16xf32>,
        tpu.vector_store %arg14[%swap3A_347, %swap3A_348], %bitcast3A_346 {strides = array<i32>} : memref<128x128xf32, #tpu.memory_space<vmem>>, vector<16xf32>,
        %get3A_350 = arith.index_cast %scan3A_281 : i32 to index
        %get3A_351 = arith.constant 112 : index
        %get3A_352 = tpu.vector_load %arg13[%get3A_350, %get3A_351] {strides = array<i32>} : memref<128x128xi32, #tpu.memory_space<vmem>>, vector<16xi32>,
        %shift_left3A_353 = arith.shli %get3A_352, %broadcast_in_dim3A_288 : vector<16xi32>
        %and3A_354 = arith.andi %shift_left3A_353, %broadcast_in_dim3A_104 : vector<16xi32>
        %bitcast3A_355 = vector.bitcast %and3A_354 : vector<16xi32> to vector<16xf32>
        %swap3A_356 = arith.index_cast %scan3A_281 : i32 to index
        %swap3A_357 = arith.constant 112 : index
        %swap3A_358 = tpu.vector_load %arg14[%swap3A_356, %swap3A_357] {strides = array<i32>} : memref<128x128xf32, #tpu.memory_space<vmem>>, vector<16xf32>,
        tpu.vector_store %arg14[%swap3A_356, %swap3A_357], %bitcast3A_355 {strides = array<i32>} : memref<128x128xf32, #tpu.memory_space<vmem>>, vector<16xf32>,
      }
      %scan3A_280 = arith.constant 128 : i32
      "tpu.region"() ({
        %run_scoped3A = tpu.sem_alloc : memref<!tpu.dma_semaphore, #tpu.memory_space<semaphore_mem>>
        %dma_start3A_281 = arith.constant 0 : i32
        %dma_start3A_282 = arith.constant 0 : i32
        %dma_start3A_283 = tpu.memref_slice %arg16[%dma_start3A_281, %dma_start3A_282] : memref<104x128xf32, #tpu.memory_space<vmem_shared>> -> memref<104x128xf32, #tpu.memory_space<vmem_shared>>
        tpu.enqueue_indirect_dma source(%arg14 : memref<128x128xf32, #tpu.memory_space<vmem>>) target(%dma_start3A_283 : memref<104x128xf32, #tpu.memory_space<vmem_shared>>) offsets(%arg11 : memref<128xi32, #tpu.memory_space<vmem>>) semaphore(%run_scoped3A : memref<!tpu.dma_semaphore, #tpu.memory_space<semaphore_mem>>) {add = true}
        %dma_wait3A_284 = arith.constant 0 : i32
        %dma_wait3A_285 = arith.constant 0 : i32
        %dma_wait3A_286 = tpu.memref_slice %arg16[%dma_wait3A_284, %dma_wait3A_285] : memref<104x128xf32, #tpu.memory_space<vmem_shared>> -> memref<104x128xf32, #tpu.memory_space<vmem_shared>>
        tpu.wait_indirect_dma semaphore(%run_scoped3A : memref<!tpu.dma_semaphore, #tpu.memory_space<semaphore_mem>>) src(%arg14 : memref<128x128xf32, #tpu.memory_space<vmem>>) dst(%dma_wait3A_286 : memref<104x128xf32, #tpu.memory_space<vmem_shared>>)
        tpu.yield
      }) : () -> ()
    }
    %while3A_115 = arith.constant 1 : i32
    scf.for %while3A_121 = %while3A_113 to %while3A_109 step %while3A_115  : i32 {
      %mul3A_122 = arith.constant 128 : i32
      %mul3A_123 = arith.muli %while3A_121, %mul3A_122 : i32
      %add3A_124 = arith.constant 0 : i32
      %add3A_125 = arith.addi %mul3A_123, %add3A_124 : i32
      %get3A = arith.index_cast %add3A_125 : i32 to index
      %get3A_126 = tpu.vector_load %arg8[%get3A] {strides = array<i32>} : memref<10256xi32, #tpu.memory_space<vmem>>, vector<16xi32>,
      %swap3A_127 = arith.constant 0 : index
      %swap3A_128 = tpu.vector_load %arg10[%swap3A_127] {strides = array<i32>} : memref<144xi32, #tpu.memory_space<vmem>>, vector<16xi32>,
      tpu.vector_store %arg10[%swap3A_127], %get3A_126 {strides = array<i32>} : memref<144xi32, #tpu.memory_space<vmem>>, vector<16xi32>,
      %shift_right_logical3A = arith.shrui %get3A_126, %broadcast_in_dim3A_106 : vector<16xi32>
      %swap3A_129 = arith.constant 0 : index
      %swap3A_130 = tpu.vector_load %arg12[%swap3A_129] {strides = array<i32>} : memref<128xi32, #tpu.memory_space<vmem>>, vector<16xi32>,
      tpu.vector_store %arg12[%swap3A_129], %shift_right_logical3A {strides = array<i32>} : memref<128xi32, #tpu.memory_space<vmem>>, vector<16xi32>,
      %mul3A_131 = arith.constant 128 : i32
      %mul3A_132 = arith.muli %while3A_121, %mul3A_131 : i32
      %add3A_133 = arith.constant 0 : i32
      %add3A_134 = arith.addi %mul3A_132, %add3A_133 : i32
      %get3A_135 = arith.index_cast %add3A_134 : i32 to index
      %get3A_136 = tpu.vector_load %arg9[%get3A_135] {strides = array<i32>} : memref<10256xi32, #tpu.memory_space<vmem>>, vector<16xi32>,
      %swap3A_137 = arith.constant 0 : index
      %swap3A_138 = tpu.vector_load %arg11[%swap3A_137] {strides = array<i32>} : memref<128xi32, #tpu.memory_space<vmem>>, vector<16xi32>,
      tpu.vector_store %arg11[%swap3A_137], %get3A_136 {strides = array<i32>} : memref<128xi32, #tpu.memory_space<vmem>>, vector<16xi32>,
      %mul3A_139 = arith.constant 128 : i32
      %mul3A_140 = arith.muli %while3A_121, %mul3A_139 : i32
      %add3A_141 = arith.constant 16 : i32
      %add3A_142 = arith.addi %mul3A_140, %add3A_141 : i32
      %get3A_143 = arith.index_cast %add3A_142 : i32 to index
      %get3A_144 = tpu.vector_load %arg8[%get3A_143] {strides = array<i32>} : memref<10256xi32, #tpu.memory_space<vmem>>, vector<16xi32>,
      %swap3A_145 = arith.constant 16 : index
      %swap3A_146 = tpu.vector_load %arg10[%swap3A_145] {strides = array<i32>} : memref<144xi32, #tpu.memory_space<vmem>>, vector<16xi32>,
      tpu.vector_store %arg10[%swap3A_145], %get3A_144 {strides = array<i32>} : memref<144xi32, #tpu.memory_space<vmem>>, vector<16xi32>,
      %shift_right_logical3A_147 = arith.shrui %get3A_144, %broadcast_in_dim3A_106 : vector<16xi32>
      %swap3A_148 = arith.constant 16 : index
      %swap3A_149 = tpu.vector_load %arg12[%swap3A_148] {strides = array<i32>} : memref<128xi32, #tpu.memory_space<vmem>>, vector<16xi32>,
      tpu.vector_store %arg12[%swap3A_148], %shift_right_logical3A_147 {strides = array<i32>} : memref<128xi32, #tpu.memory_space<vmem>>, vector<16xi32>,
      %mul3A_150 = arith.constant 128 : i32
      %mul3A_151 = arith.muli %while3A_121, %mul3A_150 : i32
      %add3A_152 = arith.constant 16 : i32
      %add3A_153 = arith.addi %mul3A_151, %add3A_152 : i32
      %get3A_154 = arith.index_cast %add3A_153 : i32 to index
      %get3A_155 = tpu.vector_load %arg9[%get3A_154] {strides = array<i32>} : memref<10256xi32, #tpu.memory_space<vmem>>, vector<16xi32>,
      %swap3A_156 = arith.constant 16 : index
      %swap3A_157 = tpu.vector_load %arg11[%swap3A_156] {strides = array<i32>} : memref<128xi32, #tpu.memory_space<vmem>>, vector<16xi32>,
      tpu.vector_store %arg11[%swap3A_156], %get3A_155 {strides = array<i32>} : memref<128xi32, #tpu.memory_space<vmem>>, vector<16xi32>,
      %mul3A_158 = arith.constant 128 : i32
      %mul3A_159 = arith.muli %while3A_121, %mul3A_158 : i32
      %add3A_160 = arith.constant 32 : i32
      %add3A_161 = arith.addi %mul3A_159, %add3A_160 : i32
      %get3A_162 = arith.index_cast %add3A_161 : i32 to index
      %get3A_163 = tpu.vector_load %arg8[%get3A_162] {strides = array<i32>} : memref<10256xi32, #tpu.memory_space<vmem>>, vector<16xi32>,
      %swap3A_164 = arith.constant 32 : index
      %swap3A_165 = tpu.vector_load %arg10[%swap3A_164] {strides = array<i32>} : memref<144xi32, #tpu.memory_space<vmem>>, vector<16xi32>,
      tpu.vector_store %arg10[%swap3A_164], %get3A_163 {strides = array<i32>} : memref<144xi32, #tpu.memory_space<vmem>>, vector<16xi32>,
      %shift_right_logical3A_166 = arith.shrui %get3A_163, %broadcast_in_dim3A_106 : vector<16xi32>
      %swap3A_167 = arith.constant 32 : index
      %swap3A_168 = tpu.vector_load %arg12[%swap3A_167] {strides = array<i32>} : memref<128xi32, #tpu.memory_space<vmem>>, vector<16xi32>,
      tpu.vector_store %arg12[%swap3A_167], %shift_right_logical3A_166 {strides = array<i32>} : memref<128xi32, #tpu.memory_space<vmem>>, vector<16xi32>,
      %mul3A_169 = arith.constant 128 : i32
      %mul3A_170 = arith.muli %while3A_121, %mul3A_169 : i32
      %add3A_171 = arith.constant 32 : i32
      %add3A_172 = arith.addi %mul3A_170, %add3A_171 : i32
      %get3A_173 = arith.index_cast %add3A_172 : i32 to index
      %get3A_174 = tpu.vector_load %arg9[%get3A_173] {strides = array<i32>} : memref<10256xi32, #tpu.memory_space<vmem>>, vector<16xi32>,
      %swap3A_175 = arith.constant 32 : index
      %swap3A_176 = tpu.vector_load %arg11[%swap3A_175] {strides = array<i32>} : memref<128xi32, #tpu.memory_space<vmem>>, vector<16xi32>,
      tpu.vector_store %arg11[%swap3A_175], %get3A_174 {strides = array<i32>} : memref<128xi32, #tpu.memory_space<vmem>>, vector<16xi32>,
      %mul3A_177 = arith.constant 128 : i32
      %mul3A_178 = arith.muli %while3A_121, %mul3A_177 : i32
      %add3A_179 = arith.constant 48 : i32
      %add3A_180 = arith.addi %mul3A_178, %add3A_179 : i32
      %get3A_181 = arith.index_cast %add3A_180 : i32 to index
      %get3A_182 = tpu.vector_load %arg8[%get3A_181] {strides = array<i32>} : memref<10256xi32, #tpu.memory_space<vmem>>, vector<16xi32>,
      %swap3A_183 = arith.constant 48 : index
      %swap3A_184 = tpu.vector_load %arg10[%swap3A_183] {strides = array<i32>} : memref<144xi32, #tpu.memory_space<vmem>>, vector<16xi32>,
      tpu.vector_store %arg10[%swap3A_183], %get3A_182 {strides = array<i32>} : memref<144xi32, #tpu.memory_space<vmem>>, vector<16xi32>,
      %shift_right_logical3A_185 = arith.shrui %get3A_182, %broadcast_in_dim3A_106 : vector<16xi32>
      %swap3A_186 = arith.constant 48 : index
      %swap3A_187 = tpu.vector_load %arg12[%swap3A_186] {strides = array<i32>} : memref<128xi32, #tpu.memory_space<vmem>>, vector<16xi32>,
      tpu.vector_store %arg12[%swap3A_186], %shift_right_logical3A_185 {strides = array<i32>} : memref<128xi32, #tpu.memory_space<vmem>>, vector<16xi32>,
      %mul3A_188 = arith.constant 128 : i32
      %mul3A_189 = arith.muli %while3A_121, %mul3A_188 : i32
      %add3A_190 = arith.constant 48 : i32
      %add3A_191 = arith.addi %mul3A_189, %add3A_190 : i32
      %get3A_192 = arith.index_cast %add3A_191 : i32 to index
      %get3A_193 = tpu.vector_load %arg9[%get3A_192] {strides = array<i32>} : memref<10256xi32, #tpu.memory_space<vmem>>, vector<16xi32>,
      %swap3A_194 = arith.constant 48 : index
      %swap3A_195 = tpu.vector_load %arg11[%swap3A_194] {strides = array<i32>} : memref<128xi32, #tpu.memory_space<vmem>>, vector<16xi32>,
      tpu.vector_store %arg11[%swap3A_194], %get3A_193 {strides = array<i32>} : memref<128xi32, #tpu.memory_space<vmem>>, vector<16xi32>,
      %mul3A_196 = arith.constant 128 : i32
      %mul3A_197 = arith.muli %while3A_121, %mul3A_196 : i32
      %add3A_198 = arith.constant 64 : i32
      %add3A_199 = arith.addi %mul3A_197, %add3A_198 : i32
      %get3A_200 = arith.index_cast %add3A_199 : i32 to index
      %get3A_201 = tpu.vector_load %arg8[%get3A_200] {strides = array<i32>} : memref<10256xi32, #tpu.memory_space<vmem>>, vector<16xi32>,
      %swap3A_202 = arith.constant 64 : index
      %swap3A_203 = tpu.vector_load %arg10[%swap3A_202] {strides = array<i32>} : memref<144xi32, #tpu.memory_space<vmem>>, vector<16xi32>,
      tpu.vector_store %arg10[%swap3A_202], %get3A_201 {strides = array<i32>} : memref<144xi32, #tpu.memory_space<vmem>>, vector<16xi32>,
      %shift_right_logical3A_204 = arith.shrui %get3A_201, %broadcast_in_dim3A_106 : vector<16xi32>
      %swap3A_205 = arith.constant 64 : index
      %swap3A_206 = tpu.vector_load %arg12[%swap3A_205] {strides = array<i32>} : memref<128xi32, #tpu.memory_space<vmem>>, vector<16xi32>,
      tpu.vector_store %arg12[%swap3A_205], %shift_right_logical3A_204 {strides = array<i32>} : memref<128xi32, #tpu.memory_space<vmem>>, vector<16xi32>,
      %mul3A_207 = arith.constant 128 : i32
      %mul3A_208 = arith.muli %while3A_121, %mul3A_207 : i32
      %add3A_209 = arith.constant 64 : i32
      %add3A_210 = arith.addi %mul3A_208, %add3A_209 : i32
      %get3A_211 = arith.index_cast %add3A_210 : i32 to index
      %get3A_212 = tpu.vector_load %arg9[%get3A_211] {strides = array<i32>} : memref<10256xi32, #tpu.memory_space<vmem>>, vector<16xi32>,
      %swap3A_213 = arith.constant 64 : index
      %swap3A_214 = tpu.vector_load %arg11[%swap3A_213] {strides = array<i32>} : memref<128xi32, #tpu.memory_space<vmem>>, vector<16xi32>,
      tpu.vector_store %arg11[%swap3A_213], %get3A_212 {strides = array<i32>} : memref<128xi32, #tpu.memory_space<vmem>>, vector<16xi32>,
      %mul3A_215 = arith.constant 128 : i32
      %mul3A_216 = arith.muli %while3A_121, %mul3A_215 : i32
      %add3A_217 = arith.constant 80 : i32
      %add3A_218 = arith.addi %mul3A_216, %add3A_217 : i32
      %get3A_219 = arith.index_cast %add3A_218 : i32 to index
      %get3A_220 = tpu.vector_load %arg8[%get3A_219] {strides = array<i32>} : memref<10256xi32, #tpu.memory_space<vmem>>, vector<16xi32>,
      %swap3A_221 = arith.constant 80 : index
      %swap3A_222 = tpu.vector_load %arg10[%swap3A_221] {strides = array<i32>} : memref<144xi32, #tpu.memory_space<vmem>>, vector<16xi32>,
      tpu.vector_store %arg10[%swap3A_221], %get3A_220 {strides = array<i32>} : memref<144xi32, #tpu.memory_space<vmem>>, vector<16xi32>,
      %shift_right_logical3A_223 = arith.shrui %get3A_220, %broadcast_in_dim3A_106 : vector<16xi32>
      %swap3A_224 = arith.constant 80 : index
      %swap3A_225 = tpu.vector_load %arg12[%swap3A_224] {strides = array<i32>} : memref<128xi32, #tpu.memory_space<vmem>>, vector<16xi32>,
      tpu.vector_store %arg12[%swap3A_224], %shift_right_logical3A_223 {strides = array<i32>} : memref<128xi32, #tpu.memory_space<vmem>>, vector<16xi32>,
      %mul3A_226 = arith.constant 128 : i32
      %mul3A_227 = arith.muli %while3A_121, %mul3A_226 : i32
      %add3A_228 = arith.constant 80 : i32
      %add3A_229 = arith.addi %mul3A_227, %add3A_228 : i32
      %get3A_230 = arith.index_cast %add3A_229 : i32 to index
      %get3A_231 = tpu.vector_load %arg9[%get3A_230] {strides = array<i32>} : memref<10256xi32, #tpu.memory_space<vmem>>, vector<16xi32>,
      %swap3A_232 = arith.constant 80 : index
      %swap3A_233 = tpu.vector_load %arg11[%swap3A_232] {strides = array<i32>} : memref<128xi32, #tpu.memory_space<vmem>>, vector<16xi32>,
      tpu.vector_store %arg11[%swap3A_232], %get3A_231 {strides = array<i32>} : memref<128xi32, #tpu.memory_space<vmem>>, vector<16xi32>,
      %mul3A_234 = arith.constant 128 : i32
      %mul3A_235 = arith.muli %while3A_121, %mul3A_234 : i32
      %add3A_236 = arith.constant 96 : i32
      %add3A_237 = arith.addi %mul3A_235, %add3A_236 : i32
      %get3A_238 = arith.index_cast %add3A_237 : i32 to index
      %get3A_239 = tpu.vector_load %arg8[%get3A_238] {strides = array<i32>} : memref<10256xi32, #tpu.memory_space<vmem>>, vector<16xi32>,
      %swap3A_240 = arith.constant 96 : index
      %swap3A_241 = tpu.vector_load %arg10[%swap3A_240] {strides = array<i32>} : memref<144xi32, #tpu.memory_space<vmem>>, vector<16xi32>,
      tpu.vector_store %arg10[%swap3A_240], %get3A_239 {strides = array<i32>} : memref<144xi32, #tpu.memory_space<vmem>>, vector<16xi32>,
      %shift_right_logical3A_242 = arith.shrui %get3A_239, %broadcast_in_dim3A_106 : vector<16xi32>
      %swap3A_243 = arith.constant 96 : index
      %swap3A_244 = tpu.vector_load %arg12[%swap3A_243] {strides = array<i32>} : memref<128xi32, #tpu.memory_space<vmem>>, vector<16xi32>,
      tpu.vector_store %arg12[%swap3A_243], %shift_right_logical3A_242 {strides = array<i32>} : memref<128xi32, #tpu.memory_space<vmem>>, vector<16xi32>,
      %mul3A_245 = arith.constant 128 : i32
      %mul3A_246 = arith.muli %while3A_121, %mul3A_245 : i32
      %add3A_247 = arith.constant 96 : i32
      %add3A_248 = arith.addi %mul3A_246, %add3A_247 : i32
      %get3A_249 = arith.index_cast %add3A_248 : i32 to index
      %get3A_250 = tpu.vector_load %arg9[%get3A_249] {strides = array<i32>} : memref<10256xi32, #tpu.memory_space<vmem>>, vector<16xi32>,
      %swap3A_251 = arith.constant 96 : index
      %swap3A_252 = tpu.vector_load %arg11[%swap3A_251] {strides = array<i32>} : memref<128xi32, #tpu.memory_space<vmem>>, vector<16xi32>,
      tpu.vector_store %arg11[%swap3A_251], %get3A_250 {strides = array<i32>} : memref<128xi32, #tpu.memory_space<vmem>>, vector<16xi32>,
      %mul3A_253 = arith.constant 128 : i32
      %mul3A_254 = arith.muli %while3A_121, %mul3A_253 : i32
      %add3A_255 = arith.constant 112 : i32
      %add3A_256 = arith.addi %mul3A_254, %add3A_255 : i32
      %get3A_257 = arith.index_cast %add3A_256 : i32 to index
      %get3A_258 = tpu.vector_load %arg8[%get3A_257] {strides = array<i32>} : memref<10256xi32, #tpu.memory_space<vmem>>, vector<16xi32>,
      %swap3A_259 = arith.constant 112 : index
      %swap3A_260 = tpu.vector_load %arg10[%swap3A_259] {strides = array<i32>} : memref<144xi32, #tpu.memory_space<vmem>>, vector<16xi32>,
      tpu.vector_store %arg10[%swap3A_259], %get3A_258 {strides = array<i32>} : memref<144xi32, #tpu.memory_space<vmem>>, vector<16xi32>,
      %shift_right_logical3A_261 = arith.shrui %get3A_258, %broadcast_in_dim3A_106 : vector<16xi32>
      %swap3A_262 = arith.constant 112 : index
      %swap3A_263 = tpu.vector_load %arg12[%swap3A_262] {strides = array<i32>} : memref<128xi32, #tpu.memory_space<vmem>>, vector<16xi32>,
      tpu.vector_store %arg12[%swap3A_262], %shift_right_logical3A_261 {strides = array<i32>} : memref<128xi32, #tpu.memory_space<vmem>>, vector<16xi32>,
      %mul3A_264 = arith.constant 128 : i32
      %mul3A_265 = arith.muli %while3A_121, %mul3A_264 : i32
      %add3A_266 = arith.constant 112 : i32
      %add3A_267 = arith.addi %mul3A_265, %add3A_266 : i32
      %get3A_268 = arith.index_cast %add3A_267 : i32 to index
      %get3A_269 = tpu.vector_load %arg9[%get3A_268] {strides = array<i32>} : memref<10256xi32, #tpu.memory_space<vmem>>, vector<16xi32>,
      %swap3A_270 = arith.constant 112 : index
      %swap3A_271 = tpu.vector_load %arg11[%swap3A_270] {strides = array<i32>} : memref<128xi32, #tpu.memory_space<vmem>>, vector<16xi32>,
      tpu.vector_store %arg11[%swap3A_270], %get3A_269 {strides = array<i32>} : memref<128xi32, #tpu.memory_space<vmem>>, vector<16xi32>,
      %dma_start3A = arith.constant 0 : i32
      %dma_start3A_272 = arith.constant 0 : i32
      %dma_start3A_273 = tpu.memref_slice %arg17[%dma_start3A, %dma_start3A_272] : memref<5000x128xi32, #tpu.memory_space<vmem_shared>> -> memref<5000x128xi32, #tpu.memory_space<vmem_shared>>
      tpu.enqueue_indirect_dma source(%dma_start3A_273 : memref<5000x128xi32, #tpu.memory_space<vmem_shared>>) target(%arg13 : memref<128x128xi32, #tpu.memory_space<vmem>>) offsets(%arg12 : memref<128xi32, #tpu.memory_space<vmem>>) semaphore(%arg18 : memref<!tpu.dma_semaphore, #tpu.memory_space<semaphore_mem>>)
      %dma_wait3A = arith.constant 0 : i32
      %dma_wait3A_274 = arith.constant 0 : i32
      %dma_wait3A_275 = tpu.memref_slice %arg17[%dma_wait3A, %dma_wait3A_274] : memref<5000x128xi32, #tpu.memory_space<vmem_shared>> -> memref<5000x128xi32, #tpu.memory_space<vmem_shared>>
      tpu.wait_indirect_dma semaphore(%arg18 : memref<!tpu.dma_semaphore, #tpu.memory_space<semaphore_mem>>) src(%dma_wait3A_275 : memref<5000x128xi32, #tpu.memory_space<vmem_shared>>) dst(%arg13 : memref<128x128xi32, #tpu.memory_space<vmem>>)
      %scan3A = arith.constant 0 : i32
      %scan3A_276 = arith.constant 0 : i32
      %scan3A_277 = arith.constant 128 : i32
      %scan3A_278 = arith.addi %scan3A_276, %scan3A_277 : i32
      %scan3A_279 = arith.constant 1 : i32
      scf.for %scan3A_281 = %scan3A_276 to %scan3A_278 step %scan3A_279  : i32 {
        %get3A_282 = arith.index_cast %scan3A_281 : i32 to index
        %get3A_283 = tpu.vector_load %arg10[%get3A_282] {strides = array<i32>} : memref<144xi32, #tpu.memory_space<vmem>>, vector<16xi32>,
        %slice3A = vector.extract_strided_slice %get3A_283 {offsets = [0], sizes = [1], strides = [1]} : vector<16xi32> to vector<1xi32>
        %squeeze3A = vector.extract %slice3A[0] : i32 from vector<1xi32>
        %and3A = arith.constant 1 : i32
        %and3A_284 = arith.andi %squeeze3A, %and3A : i32
        %sub3A = arith.constant 1 : i32
        %sub3A_285 = arith.subi %sub3A, %and3A_284 : i32
        %mul3A_286 = arith.constant 16 : i32
        %mul3A_287 = arith.muli %sub3A_285, %mul3A_286 : i32
        %broadcast_in_dim3A_288 = vector.broadcast %mul3A_287 : i32 to vector<16xi32>
        %get3A_289 = arith.index_cast %scan3A_281 : i32 to index
        %get3A_290 = arith.constant 0 : index
        %get3A_291 = tpu.vector_load %arg13[%get3A_289, %get3A_290] {strides = array<i32>} : memref<128x128xi32, #tpu.memory_space<vmem>>, vector<16xi32>,
        %shift_left3A = arith.shli %get3A_291, %broadcast_in_dim3A_288 : vector<16xi32>
        %and3A_292 = arith.andi %shift_left3A, %broadcast_in_dim3A_104 : vector<16xi32>
        %bitcast3A = vector.bitcast %and3A_292 : vector<16xi32> to vector<16xf32>
        %swap3A_293 = arith.index_cast %scan3A_281 : i32 to index
        %swap3A_294 = arith.constant 0 : index
        %swap3A_295 = tpu.vector_load %arg14[%swap3A_293, %swap3A_294] {strides = array<i32>} : memref<128x128xf32, #tpu.memory_space<vmem>>, vector<16xf32>,
        tpu.vector_store %arg14[%swap3A_293, %swap3A_294], %bitcast3A {strides = array<i32>} : memref<128x128xf32, #tpu.memory_space<vmem>>, vector<16xf32>,
        %get3A_296 = arith.index_cast %scan3A_281 : i32 to index
        %get3A_297 = arith.constant 16 : index
        %get3A_298 = tpu.vector_load %arg13[%get3A_296, %get3A_297] {strides = array<i32>} : memref<128x128xi32, #tpu.memory_space<vmem>>, vector<16xi32>,
        %shift_left3A_299 = arith.shli %get3A_298, %broadcast_in_dim3A_288 : vector<16xi32>
        %and3A_300 = arith.andi %shift_left3A_299, %broadcast_in_dim3A_104 : vector<16xi32>
        %bitcast3A_301 = vector.bitcast %and3A_300 : vector<16xi32> to vector<16xf32>
        %swap3A_302 = arith.index_cast %scan3A_281 : i32 to index
        %swap3A_303 = arith.constant 16 : index
        %swap3A_304 = tpu.vector_load %arg14[%swap3A_302, %swap3A_303] {strides = array<i32>} : memref<128x128xf32, #tpu.memory_space<vmem>>, vector<16xf32>,
        tpu.vector_store %arg14[%swap3A_302, %swap3A_303], %bitcast3A_301 {strides = array<i32>} : memref<128x128xf32, #tpu.memory_space<vmem>>, vector<16xf32>,
        %get3A_305 = arith.index_cast %scan3A_281 : i32 to index
        %get3A_306 = arith.constant 32 : index
        %get3A_307 = tpu.vector_load %arg13[%get3A_305, %get3A_306] {strides = array<i32>} : memref<128x128xi32, #tpu.memory_space<vmem>>, vector<16xi32>,
        %shift_left3A_308 = arith.shli %get3A_307, %broadcast_in_dim3A_288 : vector<16xi32>
        %and3A_309 = arith.andi %shift_left3A_308, %broadcast_in_dim3A_104 : vector<16xi32>
        %bitcast3A_310 = vector.bitcast %and3A_309 : vector<16xi32> to vector<16xf32>
        %swap3A_311 = arith.index_cast %scan3A_281 : i32 to index
        %swap3A_312 = arith.constant 32 : index
        %swap3A_313 = tpu.vector_load %arg14[%swap3A_311, %swap3A_312] {strides = array<i32>} : memref<128x128xf32, #tpu.memory_space<vmem>>, vector<16xf32>,
        tpu.vector_store %arg14[%swap3A_311, %swap3A_312], %bitcast3A_310 {strides = array<i32>} : memref<128x128xf32, #tpu.memory_space<vmem>>, vector<16xf32>,
        %get3A_314 = arith.index_cast %scan3A_281 : i32 to index
        %get3A_315 = arith.constant 48 : index
        %get3A_316 = tpu.vector_load %arg13[%get3A_314, %get3A_315] {strides = array<i32>} : memref<128x128xi32, #tpu.memory_space<vmem>>, vector<16xi32>,
        %shift_left3A_317 = arith.shli %get3A_316, %broadcast_in_dim3A_288 : vector<16xi32>
        %and3A_318 = arith.andi %shift_left3A_317, %broadcast_in_dim3A_104 : vector<16xi32>
        %bitcast3A_319 = vector.bitcast %and3A_318 : vector<16xi32> to vector<16xf32>
        %swap3A_320 = arith.index_cast %scan3A_281 : i32 to index
        %swap3A_321 = arith.constant 48 : index
        %swap3A_322 = tpu.vector_load %arg14[%swap3A_320, %swap3A_321] {strides = array<i32>} : memref<128x128xf32, #tpu.memory_space<vmem>>, vector<16xf32>,
        tpu.vector_store %arg14[%swap3A_320, %swap3A_321], %bitcast3A_319 {strides = array<i32>} : memref<128x128xf32, #tpu.memory_space<vmem>>, vector<16xf32>,
        %get3A_323 = arith.index_cast %scan3A_281 : i32 to index
        %get3A_324 = arith.constant 64 : index
        %get3A_325 = tpu.vector_load %arg13[%get3A_323, %get3A_324] {strides = array<i32>} : memref<128x128xi32, #tpu.memory_space<vmem>>, vector<16xi32>,
        %shift_left3A_326 = arith.shli %get3A_325, %broadcast_in_dim3A_288 : vector<16xi32>
        %and3A_327 = arith.andi %shift_left3A_326, %broadcast_in_dim3A_104 : vector<16xi32>
        %bitcast3A_328 = vector.bitcast %and3A_327 : vector<16xi32> to vector<16xf32>
        %swap3A_329 = arith.index_cast %scan3A_281 : i32 to index
        %swap3A_330 = arith.constant 64 : index
        %swap3A_331 = tpu.vector_load %arg14[%swap3A_329, %swap3A_330] {strides = array<i32>} : memref<128x128xf32, #tpu.memory_space<vmem>>, vector<16xf32>,
        tpu.vector_store %arg14[%swap3A_329, %swap3A_330], %bitcast3A_328 {strides = array<i32>} : memref<128x128xf32, #tpu.memory_space<vmem>>, vector<16xf32>,
        %get3A_332 = arith.index_cast %scan3A_281 : i32 to index
        %get3A_333 = arith.constant 80 : index
        %get3A_334 = tpu.vector_load %arg13[%get3A_332, %get3A_333] {strides = array<i32>} : memref<128x128xi32, #tpu.memory_space<vmem>>, vector<16xi32>,
        %shift_left3A_335 = arith.shli %get3A_334, %broadcast_in_dim3A_288 : vector<16xi32>
        %and3A_336 = arith.andi %shift_left3A_335, %broadcast_in_dim3A_104 : vector<16xi32>
        %bitcast3A_337 = vector.bitcast %and3A_336 : vector<16xi32> to vector<16xf32>
        %swap3A_338 = arith.index_cast %scan3A_281 : i32 to index
        %swap3A_339 = arith.constant 80 : index
        %swap3A_340 = tpu.vector_load %arg14[%swap3A_338, %swap3A_339] {strides = array<i32>} : memref<128x128xf32, #tpu.memory_space<vmem>>, vector<16xf32>,
        tpu.vector_store %arg14[%swap3A_338, %swap3A_339], %bitcast3A_337 {strides = array<i32>} : memref<128x128xf32, #tpu.memory_space<vmem>>, vector<16xf32>,
        %get3A_341 = arith.index_cast %scan3A_281 : i32 to index
        %get3A_342 = arith.constant 96 : index
        %get3A_343 = tpu.vector_load %arg13[%get3A_341, %get3A_342] {strides = array<i32>} : memref<128x128xi32, #tpu.memory_space<vmem>>, vector<16xi32>,
        %shift_left3A_344 = arith.shli %get3A_343, %broadcast_in_dim3A_288 : vector<16xi32>
        %and3A_345 = arith.andi %shift_left3A_344, %broadcast_in_dim3A_104 : vector<16xi32>
        %bitcast3A_346 = vector.bitcast %and3A_345 : vector<16xi32> to vector<16xf32>
        %swap3A_347 = arith.index_cast %scan3A_281 : i32 to index
        %swap3A_348 = arith.constant 96 : index
        %swap3A_349 = tpu.vector_load %arg14[%swap3A_347, %swap3A_348] {strides = array<i32>} : memref<128x128xf32, #tpu.memory_space<vmem>>, vector<16xf32>,
        tpu.vector_store %arg14[%swap3A_347, %swap3A_348], %bitcast3A_346 {strides = array<i32>} : memref<128x128xf32, #tpu.memory_space<vmem>>, vector<16xf32>,
        %get3A_350 = arith.index_cast %scan3A_281 : i32 to index
        %get3A_351 = arith.constant 112 : index
        %get3A_352 = tpu.vector_load %arg13[%get3A_350, %get3A_351] {strides = array<i32>} : memref<128x128xi32, #tpu.memory_space<vmem>>, vector<16xi32>,
        %shift_left3A_353 = arith.shli %get3A_352, %broadcast_in_dim3A_288 : vector<16xi32>
        %and3A_354 = arith.andi %shift_left3A_353, %broadcast_in_dim3A_104 : vector<16xi32>
        %bitcast3A_355 = vector.bitcast %and3A_354 : vector<16xi32> to vector<16xf32>
        %swap3A_356 = arith.index_cast %scan3A_281 : i32 to index
        %swap3A_357 = arith.constant 112 : index
        %swap3A_358 = tpu.vector_load %arg14[%swap3A_356, %swap3A_357] {strides = array<i32>} : memref<128x128xf32, #tpu.memory_space<vmem>>, vector<16xf32>,
        tpu.vector_store %arg14[%swap3A_356, %swap3A_357], %bitcast3A_355 {strides = array<i32>} : memref<128x128xf32, #tpu.memory_space<vmem>>, vector<16xf32>,
      }
      %scan3A_280 = arith.constant 128 : i32
      "tpu.region"() ({
        %run_scoped3A = tpu.sem_alloc : memref<!tpu.dma_semaphore, #tpu.memory_space<semaphore_mem>>
        %dma_start3A_281 = arith.constant 0 : i32
        %dma_start3A_282 = arith.constant 0 : i32
        %dma_start3A_283 = tpu.memref_slice %arg16[%dma_start3A_281, %dma_start3A_282] : memref<104x128xf32, #tpu.memory_space<vmem_shared>> -> memref<104x128xf32, #tpu.memory_space<vmem_shared>>
        tpu.enqueue_indirect_dma source(%arg14 : memref<128x128xf32, #tpu.memory_space<vmem>>) target(%dma_start3A_283 : memref<104x128xf32, #tpu.memory_space<vmem_shared>>) offsets(%arg11 : memref<128xi32, #tpu.memory_space<vmem>>) semaphore(%run_scoped3A : memref<!tpu.dma_semaphore, #tpu.memory_space<semaphore_mem>>) {add = true}
        %dma_wait3A_284 = arith.constant 0 : i32
        %dma_wait3A_285 = arith.constant 0 : i32
        %dma_wait3A_286 = tpu.memref_slice %arg16[%dma_wait3A_284, %dma_wait3A_285] : memref<104x128xf32, #tpu.memory_space<vmem_shared>> -> memref<104x128xf32, #tpu.memory_space<vmem_shared>>
        tpu.wait_indirect_dma semaphore(%run_scoped3A : memref<!tpu.dma_semaphore, #tpu.memory_space<semaphore_mem>>) src(%arg14 : memref<128x128xf32, #tpu.memory_space<vmem>>) dst(%dma_wait3A_286 : memref<104x128xf32, #tpu.memory_space<vmem_shared>>)
        tpu.yield
      }) : () -> ()
    }
    %barrier3A_116 = arith.constant 0 : index
    tpu.barrier barrier_id(%barrier3A_116)
    %eq3A = arith.constant 0 : i32
    %eq3A_117 = arith.cmpi eq, %arg1, %eq3A : i32
    %convert_element_type3A_118 = arith.extui %eq3A_117 : i1 to i32
    %cond3A_119 = arith.constant 0 : i32
    %cond3A_120 = arith.cmpi ne, %convert_element_type3A_118, %cond3A_119 : i32
    scf.if %cond3A_120 {
      "tpu.region"() ({
        %run_scoped3A = tpu.sem_alloc : memref<!tpu.dma_semaphore, #tpu.memory_space<semaphore_mem>>
        %dma_start3A = arith.constant 0 : i32
        %dma_start3A_121 = arith.constant 0 : i32
        %dma_start3A_122 = tpu.memref_slice %arg5[%arg0, %dma_start3A, %dma_start3A_121] : memref<2x104x128xf32, #tpu.memory_space<hbm>> -> memref<1x104x128xf32, #tpu.memory_space<hbm>>
        %dma_start3A_123 = tpu.memref_squeeze %dma_start3A_122 : memref<1x104x128xf32, #tpu.memory_space<hbm>> -> memref<104x128xf32, #tpu.memory_space<hbm>>
        tpu.enqueue_dma source(%arg16 : memref<104x128xf32, #tpu.memory_space<vmem_shared>>) target(%dma_start3A_123 : memref<104x128xf32, #tpu.memory_space<hbm>>) target_semaphore(%run_scoped3A : memref<!tpu.dma_semaphore, #tpu.memory_space<semaphore_mem>>)
        %dma_wait3A = arith.constant 0 : i32
        %dma_wait3A_124 = arith.constant 0 : i32
        %dma_wait3A_125 = tpu.memref_slice %arg5[%arg0, %dma_wait3A, %dma_wait3A_124] : memref<2x104x128xf32, #tpu.memory_space<hbm>> -> memref<1x104x128xf32, #tpu.memory_space<hbm>>
        %dma_wait3A_126 = tpu.memref_squeeze %dma_wait3A_125 : memref<1x104x128xf32, #tpu.memory_space<hbm>> -> memref<104x128xf32, #tpu.memory_space<hbm>>
        tpu.wait_dma2 semaphore(%run_scoped3A : memref<!tpu.dma_semaphore, #tpu.memory_space<semaphore_mem>>) src(%arg16 : memref<104x128xf32, #tpu.memory_space<vmem_shared>>) dst(%dma_wait3A_126 : memref<104x128xf32, #tpu.memory_space<hbm>>)
        tpu.yield
      }) : () -> ()
    } else {
    }
    return
  }
}

module attributes {stable_mosaic.version = 14 : i64} {
  func.func @_tc_body(%arg0: memref<2x104x128xf32, #tpu.memory_space<vmem>>, %arg1: memref<100x128xf32, #tpu.memory_space<vmem>>, %arg2: memref<1024x1xi32, #tpu.memory_space<vmem>>, %arg3: memref<1x1024xi32, #tpu.memory_space<vmem>>, %arg4: memref<1024x16xf32, #tpu.memory_space<vmem>>, %arg5: memref<10x64xf32, #tpu.memory_space<vmem>>, %arg6: memref<128x128xf32, #tpu.memory_space<vmem>>, %arg7: memref<128x128xf32, #tpu.memory_space<vmem>>, %arg8: memref<1x128xf32, #tpu.memory_space<vmem>>, %arg9: memref<128x128xf32, #tpu.memory_space<vmem>>, %arg10: memref<16x128xf32, #tpu.memory_space<vmem>>, %arg11: memref<1x128xf32, #tpu.memory_space<vmem>>, %arg12: memref<64x128xf32, #tpu.memory_space<vmem>>, %arg13: memref<1x128xf32, #tpu.memory_space<vmem>>, %arg14: memref<384x1xf32, #tpu.memory_space<vmem>>, %arg15: memref<1x1xf32, #tpu.memory_space<vmem>>, %arg16: memref<10x10xf32, #tpu.memory_space<vmem>>) attributes {dimension_semantics = [], scalar_prefetch = 0 : i64, scratch_operands = 0 : i64, tpu.core_type = #tpu.core_type<tc>} {
    %get3A = arith.constant 0 : index
    %get3A_0 = arith.constant 0 : index
    %get3A_1 = arith.constant 0 : index
    %get3A_2 = vector.load %arg0[%get3A, %get3A_0, %get3A_1] : memref<2x104x128xf32, #tpu.memory_space<vmem>>, vector<2x104x128xf32>
    %slice3A = vector.extract_strided_slice %get3A_2 {offsets = [0, 0, 0], sizes = [1, 104, 128], strides = [1, 1, 1]} : vector<2x104x128xf32> to vector<1x104x128xf32>
    %squeeze3A = vector.shape_cast %slice3A : vector<1x104x128xf32> to vector<104x128xf32>
    %slice3A_3 = vector.extract_strided_slice %get3A_2 {offsets = [1, 0, 0], sizes = [1, 104, 128], strides = [1, 1, 1]} : vector<2x104x128xf32> to vector<1x104x128xf32>
    %squeeze3A_4 = vector.shape_cast %slice3A_3 : vector<1x104x128xf32> to vector<104x128xf32>
    %add3A = arith.addf %squeeze3A, %squeeze3A_4 : vector<104x128xf32>
    %slice3A_5 = vector.extract_strided_slice %add3A {offsets = [0, 0], sizes = [100, 128], strides = [1, 1]} : vector<104x128xf32> to vector<100x128xf32>
    %get3A_6 = arith.constant 0 : index
    %get3A_7 = arith.constant 0 : index
    %get3A_8 = vector.load %arg6[%get3A_6, %get3A_7] : memref<128x128xf32, #tpu.memory_space<vmem>>, vector<128x128xf32>
    %convert_element_type3A = arith.truncf %get3A_8 : vector<128x128xf32> to vector<128x128xbf16>
    %convert_element_type3A_9 = arith.extf %convert_element_type3A : vector<128x128xbf16> to vector<128x128xf32>
    %dot_general3A = arith.constant dense<0.000000e+00> : vector<100x128xf32>
    %dot_general3A_10 = tpu.matmul %slice3A_5, %convert_element_type3A_9, %dot_general3A {dimension_numbers = #tpu.dot_dimension_numbers<[1], [0], [0], [1], [0, 0, 1, 1], [], []>, precision = #tpu.contract_precision<fp32>, transpose_lhs_hint = false} : vector<100x128xf32>, vector<128x128xf32>, vector<100x128xf32> -> vector<100x128xf32>
    %get3A_11 = arith.constant 0 : index
    %get3A_12 = arith.constant 0 : index
    %get3A_13 = vector.load %arg1[%get3A_11, %get3A_12] : memref<100x128xf32, #tpu.memory_space<vmem>>, vector<100x128xf32>
    %get3A_14 = arith.constant 0 : index
    %get3A_15 = arith.constant 0 : index
    %get3A_16 = vector.load %arg7[%get3A_14, %get3A_15] : memref<128x128xf32, #tpu.memory_space<vmem>>, vector<128x128xf32>
    %convert_element_type3A_17 = arith.truncf %get3A_16 : vector<128x128xf32> to vector<128x128xbf16>
    %convert_element_type3A_18 = arith.extf %convert_element_type3A_17 : vector<128x128xbf16> to vector<128x128xf32>
    %dot_general3A_19 = arith.constant dense<0.000000e+00> : vector<100x128xf32>
    %dot_general3A_20 = tpu.matmul %get3A_13, %convert_element_type3A_18, %dot_general3A_19 {dimension_numbers = #tpu.dot_dimension_numbers<[1], [0], [0], [1], [0, 0, 1, 1], [], []>, precision = #tpu.contract_precision<fp32>, transpose_lhs_hint = false} : vector<100x128xf32>, vector<128x128xf32>, vector<100x128xf32> -> vector<100x128xf32>
    %add3A_21 = arith.addf %dot_general3A_10, %dot_general3A_20 : vector<100x128xf32>
    %get3A_22 = arith.constant 0 : index
    %get3A_23 = arith.constant 0 : index
    %get3A_24 = vector.load %arg8[%get3A_22, %get3A_23] : memref<1x128xf32, #tpu.memory_space<vmem>>, vector<1x128xf32>
    %add3A_25 = vector.broadcast %get3A_24 : vector<1x128xf32> to vector<100x128xf32>
    %add3A_26 = arith.addf %add3A_21, %add3A_25 : vector<100x128xf32>
    %max3A = arith.constant 0.000000e+00 : f32
    %max3A_27 = vector.broadcast %max3A : f32 to vector<100x128xf32>
    %max3A_28 = arith.maximumf %add3A_26, %max3A_27 : vector<100x128xf32>
    %convert_element_type3A_29 = arith.truncf %max3A_28 : vector<100x128xf32> to vector<100x128xbf16>
    %convert_element_type3A_30 = arith.extf %convert_element_type3A_29 : vector<100x128xbf16> to vector<100x128xf32>
    %iota3A = tpu.iota {dimensions = array<i32: 0>} : vector<100x1024xi32>
    %get3A_31 = arith.constant 0 : index
    %get3A_32 = arith.constant 0 : index
    %get3A_33 = vector.load %arg3[%get3A_31, %get3A_32] : memref<1x1024xi32, #tpu.memory_space<vmem>>, vector<1x1024xi32>
    %eq3A = vector.broadcast %get3A_33 : vector<1x1024xi32> to vector<100x1024xi32>
    %eq3A_34 = arith.cmpi eq, %eq3A, %iota3A : vector<100x1024xi32>
    %convert_element_type3A_35 = arith.extui %eq3A_34 : vector<100x1024xi1> to vector<100x1024xi32>
    %convert_element_type3A_36 = arith.sitofp %convert_element_type3A_35 : vector<100x1024xi32> to vector<100x1024xf32>
    %get3A_37 = arith.constant 0 : index
    %get3A_38 = arith.constant 0 : index
    %get3A_39 = vector.load %arg4[%get3A_37, %get3A_38] : memref<1024x16xf32, #tpu.memory_space<vmem>>, vector<1024x16xf32>
    %convert_element_type3A_40 = arith.truncf %get3A_39 : vector<1024x16xf32> to vector<1024x16xbf16>
    %convert_element_type3A_41 = arith.extf %convert_element_type3A_40 : vector<1024x16xbf16> to vector<1024x16xf32>
    %dot_general3A_42 = arith.constant dense<0.000000e+00> : vector<100x16xf32>
    %dot_general3A_43 = tpu.matmul %convert_element_type3A_36, %convert_element_type3A_41, %dot_general3A_42 {dimension_numbers = #tpu.dot_dimension_numbers<[1], [0], [0], [1], [0, 0, 1, 1], [], []>, precision = #tpu.contract_precision<fp32>, transpose_lhs_hint = false} : vector<100x1024xf32>, vector<1024x16xf32>, vector<100x16xf32> -> vector<100x16xf32>
    %iota3A_44 = tpu.iota {dimensions = array<i32: 1>} : vector<1024x100xi32>
    %get3A_45 = arith.constant 0 : index
    %get3A_46 = arith.constant 0 : index
    %get3A_47 = vector.load %arg2[%get3A_45, %get3A_46] : memref<1024x1xi32, #tpu.memory_space<vmem>>, vector<1024x1xi32>
    %eq3A_48 = vector.broadcast %get3A_47 : vector<1024x1xi32> to vector<1024x100xi32>
    %eq3A_49 = arith.cmpi eq, %eq3A_48, %iota3A_44 : vector<1024x100xi32>
    %convert_element_type3A_50 = arith.extui %eq3A_49 : vector<1024x100xi1> to vector<1024x100xi32>
    %convert_element_type3A_51 = arith.sitofp %convert_element_type3A_50 : vector<1024x100xi32> to vector<1024x100xf32>
    %dot_general3A_52 = arith.constant dense<0.000000e+00> : vector<100x100xf32>
    %dot_general3A_53 = tpu.matmul %convert_element_type3A_36, %convert_element_type3A_51, %dot_general3A_52 {dimension_numbers = #tpu.dot_dimension_numbers<[1], [0], [0], [1], [0, 0, 1, 1], [], []>, precision = #tpu.contract_precision<fp32>, transpose_lhs_hint = false} : vector<100x1024xf32>, vector<1024x100xf32>, vector<100x100xf32> -> vector<100x100xf32>
    %dot_general3A_54 = arith.constant dense<0.000000e+00> : vector<100x128xf32>
    %dot_general3A_55 = tpu.matmul %dot_general3A_53, %convert_element_type3A_30, %dot_general3A_54 {dimension_numbers = #tpu.dot_dimension_numbers<[1], [0], [0], [1], [0, 0, 1, 1], [], []>, precision = #tpu.contract_precision<fp32>, transpose_lhs_hint = false} : vector<100x100xf32>, vector<100x128xf32>, vector<100x128xf32> -> vector<100x128xf32>
    %get3A_56 = arith.constant 0 : index
    %get3A_57 = arith.constant 0 : index
    %get3A_58 = vector.load %arg9[%get3A_56, %get3A_57] : memref<128x128xf32, #tpu.memory_space<vmem>>, vector<128x128xf32>
    %convert_element_type3A_59 = arith.truncf %get3A_58 : vector<128x128xf32> to vector<128x128xbf16>
    %convert_element_type3A_60 = arith.extf %convert_element_type3A_59 : vector<128x128xbf16> to vector<128x128xf32>
    %dot_general3A_61 = arith.constant dense<0.000000e+00> : vector<100x128xf32>
    %dot_general3A_62 = tpu.matmul %dot_general3A_55, %convert_element_type3A_60, %dot_general3A_61 {dimension_numbers = #tpu.dot_dimension_numbers<[1], [0], [0], [1], [0, 0, 1, 1], [], []>, precision = #tpu.contract_precision<fp32>, transpose_lhs_hint = false} : vector<100x128xf32>, vector<128x128xf32>, vector<100x128xf32> -> vector<100x128xf32>
    %get3A_63 = arith.constant 0 : index
    %get3A_64 = arith.constant 0 : index
    %get3A_65 = vector.load %arg10[%get3A_63, %get3A_64] : memref<16x128xf32, #tpu.memory_space<vmem>>, vector<16x128xf32>
    %convert_element_type3A_66 = arith.truncf %get3A_65 : vector<16x128xf32> to vector<16x128xbf16>
    %convert_element_type3A_67 = arith.extf %convert_element_type3A_66 : vector<16x128xbf16> to vector<16x128xf32>
    %dot_general3A_68 = arith.constant dense<0.000000e+00> : vector<100x128xf32>
    %dot_general3A_69 = tpu.matmul %dot_general3A_43, %convert_element_type3A_67, %dot_general3A_68 {dimension_numbers = #tpu.dot_dimension_numbers<[1], [0], [0], [1], [0, 0, 1, 1], [], []>, precision = #tpu.contract_precision<fp32>, transpose_lhs_hint = false} : vector<100x16xf32>, vector<16x128xf32>, vector<100x128xf32> -> vector<100x128xf32>
    %add3A_70 = arith.addf %dot_general3A_62, %dot_general3A_69 : vector<100x128xf32>
    %get3A_71 = arith.constant 0 : index
    %get3A_72 = arith.constant 0 : index
    %get3A_73 = vector.load %arg11[%get3A_71, %get3A_72] : memref<1x128xf32, #tpu.memory_space<vmem>>, vector<1x128xf32>
    %add3A_74 = vector.broadcast %get3A_73 : vector<1x128xf32> to vector<100x128xf32>
    %add3A_75 = arith.addf %add3A_70, %add3A_74 : vector<100x128xf32>
    %max3A_76 = arith.constant 0.000000e+00 : f32
    %max3A_77 = vector.broadcast %max3A_76 : f32 to vector<100x128xf32>
    %max3A_78 = arith.maximumf %add3A_75, %max3A_77 : vector<100x128xf32>
    %convert_element_type3A_79 = arith.truncf %max3A_78 : vector<100x128xf32> to vector<100x128xbf16>
    %convert_element_type3A_80 = arith.extf %convert_element_type3A_79 : vector<100x128xbf16> to vector<100x128xf32>
    %get3A_81 = arith.constant 0 : index
    %get3A_82 = arith.constant 0 : index
    %get3A_83 = vector.load %arg5[%get3A_81, %get3A_82] : memref<10x64xf32, #tpu.memory_space<vmem>>, vector<10x64xf32>
    %convert_element_type3A_84 = arith.truncf %get3A_83 : vector<10x64xf32> to vector<10x64xbf16>
    %convert_element_type3A_85 = arith.extf %convert_element_type3A_84 : vector<10x64xbf16> to vector<10x64xf32>
    %get3A_86 = arith.constant 0 : index
    %get3A_87 = arith.constant 0 : index
    %get3A_88 = vector.load %arg12[%get3A_86, %get3A_87] : memref<64x128xf32, #tpu.memory_space<vmem>>, vector<64x128xf32>
    %convert_element_type3A_89 = arith.truncf %get3A_88 : vector<64x128xf32> to vector<64x128xbf16>
    %convert_element_type3A_90 = arith.extf %convert_element_type3A_89 : vector<64x128xbf16> to vector<64x128xf32>
    %dot_general3A_91 = arith.constant dense<0.000000e+00> : vector<10x128xf32>
    %dot_general3A_92 = tpu.matmul %convert_element_type3A_85, %convert_element_type3A_90, %dot_general3A_91 {dimension_numbers = #tpu.dot_dimension_numbers<[1], [0], [0], [1], [0, 0, 1, 1], [], []>, precision = #tpu.contract_precision<fp32>, transpose_lhs_hint = false} : vector<10x64xf32>, vector<64x128xf32>, vector<10x128xf32> -> vector<10x128xf32>
    %get3A_93 = arith.constant 0 : index
    %get3A_94 = arith.constant 0 : index
    %get3A_95 = vector.load %arg13[%get3A_93, %get3A_94] : memref<1x128xf32, #tpu.memory_space<vmem>>, vector<1x128xf32>
    %add3A_96 = vector.broadcast %get3A_95 : vector<1x128xf32> to vector<10x128xf32>
    %add3A_97 = arith.addf %dot_general3A_92, %add3A_96 : vector<10x128xf32>
    %max3A_98 = arith.constant 0.000000e+00 : f32
    %max3A_99 = vector.broadcast %max3A_98 : f32 to vector<10x128xf32>
    %max3A_100 = arith.maximumf %add3A_97, %max3A_99 : vector<10x128xf32>
    %convert_element_type3A_101 = arith.truncf %max3A_100 : vector<10x128xf32> to vector<10x128xbf16>
    %convert_element_type3A_102 = arith.extf %convert_element_type3A_101 : vector<10x128xbf16> to vector<10x128xf32>
    %iota3A_103 = tpu.iota {dimensions = array<i32: 0>} : vector<100x10xi32>
    %jit3A = arith.constant 10 : i32
    %div3A = vector.broadcast %jit3A : i32 to vector<100x10xi32>
    %div3A_104 = arith.divsi %iota3A_103, %div3A : vector<100x10xi32>
    %sign3A = arith.constant 0 : i32
    %sign3A_105 = vector.broadcast %sign3A : i32 to vector<100x10xi32>
    %sign3A_106 = arith.cmpi sgt, %iota3A_103, %sign3A_105 : vector<100x10xi32>
    %sign3A_107 = arith.extui %sign3A_106 : vector<100x10xi1> to vector<100x10xi32>
    %sign3A_108 = arith.constant 0 : i32
    %sign3A_109 = vector.broadcast %sign3A_108 : i32 to vector<100x10xi32>
    %sign3A_110 = arith.cmpi slt, %iota3A_103, %sign3A_109 : vector<100x10xi32>
    %sign3A_111 = arith.extui %sign3A_110 : vector<100x10xi1> to vector<100x10xi32>
    %sign3A_112 = arith.subi %sign3A_107, %sign3A_111 : vector<100x10xi32>
    %sign3A_113 = arith.constant 0 : i32
    %sign3A_114 = arith.cmpi sgt, %jit3A, %sign3A_113 : i32
    %sign3A_115 = arith.extui %sign3A_114 : i1 to i32
    %sign3A_116 = arith.constant 0 : i32
    %sign3A_117 = arith.cmpi slt, %jit3A, %sign3A_116 : i32
    %sign3A_118 = arith.extui %sign3A_117 : i1 to i32
    %sign3A_119 = arith.subi %sign3A_115, %sign3A_118 : i32
    %ne3A = vector.broadcast %sign3A_119 : i32 to vector<100x10xi32>
    %ne3A_120 = arith.cmpi ne, %sign3A_112, %ne3A : vector<100x10xi32>
    %rem3A = vector.broadcast %jit3A : i32 to vector<100x10xi32>
    %rem3A_121 = arith.remsi %iota3A_103, %rem3A : vector<100x10xi32>
    %ne3A_122 = arith.constant 0 : i32
    %ne3A_123 = vector.broadcast %ne3A_122 : i32 to vector<100x10xi32>
    %ne3A_124 = arith.cmpi ne, %rem3A_121, %ne3A_123 : vector<100x10xi32>
    %and3A = arith.andi %ne3A_120, %ne3A_124 : vector<100x10xi1>
    %sub3A = arith.constant 1 : i32
    %sub3A_125 = vector.broadcast %sub3A : i32 to vector<100x10xi32>
    %sub3A_126 = arith.subi %div3A_104, %sub3A_125 : vector<100x10xi32>
    %select_n3A = arith.select %and3A, %sub3A_126, %div3A_104 : vector<100x10xi1>, vector<100x10xi32>
    %iota3A_127 = tpu.iota {dimensions = array<i32: 1>} : vector<100x10xi32>
    %eq3A_128 = arith.cmpi eq, %select_n3A, %iota3A_127 : vector<100x10xi32>
    %convert_element_type3A_129 = arith.extui %eq3A_128 : vector<100x10xi1> to vector<100x10xi32>
    %convert_element_type3A_130 = arith.sitofp %convert_element_type3A_129 : vector<100x10xi32> to vector<100x10xf32>
    %dot_general3A_131 = arith.constant dense<0.000000e+00> : vector<100x128xf32>
    %dot_general3A_132 = tpu.matmul %convert_element_type3A_130, %convert_element_type3A_102, %dot_general3A_131 {dimension_numbers = #tpu.dot_dimension_numbers<[1], [0], [0], [1], [0, 0, 1, 1], [], []>, precision = #tpu.contract_precision<fp32>, transpose_lhs_hint = false} : vector<100x10xf32>, vector<10x128xf32>, vector<100x128xf32> -> vector<100x128xf32>
    %get3A_133 = arith.constant 0 : index
    %get3A_134 = arith.constant 0 : index
    %get3A_135 = vector.load %arg14[%get3A_133, %get3A_134] : memref<384x1xf32, #tpu.memory_space<vmem>>, vector<384x1xf32>
    %convert_element_type3A_136 = arith.truncf %get3A_135 : vector<384x1xf32> to vector<384x1xbf16>
    %convert_element_type3A_137 = arith.extf %convert_element_type3A_136 : vector<384x1xbf16> to vector<384x1xf32>
    %slice3A_138 = vector.extract_strided_slice %convert_element_type3A_137 {offsets = [0, 0], sizes = [128, 1], strides = [1, 1]} : vector<384x1xf32> to vector<128x1xf32>
    %dot_general3A_139 = arith.constant dense<0.000000e+00> : vector<100x1xf32>
    %dot_general3A_140 = tpu.matmul %convert_element_type3A_30, %slice3A_138, %dot_general3A_139 {dimension_numbers = #tpu.dot_dimension_numbers<[1], [0], [0], [1], [0, 0, 1, 1], [], []>, precision = #tpu.contract_precision<fp32>, transpose_lhs_hint = false} : vector<100x128xf32>, vector<128x1xf32>, vector<100x1xf32> -> vector<100x1xf32>
    %slice3A_141 = vector.extract_strided_slice %convert_element_type3A_137 {offsets = [128, 0], sizes = [128, 1], strides = [1, 1]} : vector<384x1xf32> to vector<128x1xf32>
    %dot_general3A_142 = arith.constant dense<0.000000e+00> : vector<100x1xf32>
    %dot_general3A_143 = tpu.matmul %convert_element_type3A_80, %slice3A_141, %dot_general3A_142 {dimension_numbers = #tpu.dot_dimension_numbers<[1], [0], [0], [1], [0, 0, 1, 1], [], []>, precision = #tpu.contract_precision<fp32>, transpose_lhs_hint = false} : vector<100x128xf32>, vector<128x1xf32>, vector<100x1xf32> -> vector<100x1xf32>
    %add3A_144 = arith.addf %dot_general3A_140, %dot_general3A_143 : vector<100x1xf32>
    %slice3A_145 = vector.extract_strided_slice %convert_element_type3A_137 {offsets = [256, 0], sizes = [128, 1], strides = [1, 1]} : vector<384x1xf32> to vector<128x1xf32>
    %dot_general3A_146 = arith.constant dense<0.000000e+00> : vector<100x1xf32>
    %dot_general3A_147 = tpu.matmul %dot_general3A_132, %slice3A_145, %dot_general3A_146 {dimension_numbers = #tpu.dot_dimension_numbers<[1], [0], [0], [1], [0, 0, 1, 1], [], []>, precision = #tpu.contract_precision<fp32>, transpose_lhs_hint = false} : vector<100x128xf32>, vector<128x1xf32>, vector<100x1xf32> -> vector<100x1xf32>
    %add3A_148 = arith.addf %add3A_144, %dot_general3A_147 : vector<100x1xf32>
    %get3A_149 = arith.constant 0 : index
    %get3A_150 = arith.constant 0 : index
    %get3A_151 = vector.load %arg15[%get3A_149, %get3A_150] : memref<1x1xf32, #tpu.memory_space<vmem>>, vector<1x1xf32>
    %add3A_152 = vector.broadcast %get3A_151 : vector<1x1xf32> to vector<100x1xf32>
    %add3A_153 = arith.addf %add3A_148, %add3A_152 : vector<100x1xf32>
    %iota3A_154 = tpu.iota {dimensions = array<i32: 1>} : vector<10x100xi32>
    %jit3A_155 = arith.constant 10 : i32
    %div3A_156 = vector.broadcast %jit3A_155 : i32 to vector<10x100xi32>
    %div3A_157 = arith.divsi %iota3A_154, %div3A_156 : vector<10x100xi32>
    %sign3A_158 = arith.constant 0 : i32
    %sign3A_159 = vector.broadcast %sign3A_158 : i32 to vector<10x100xi32>
    %sign3A_160 = arith.cmpi sgt, %iota3A_154, %sign3A_159 : vector<10x100xi32>
    %sign3A_161 = arith.extui %sign3A_160 : vector<10x100xi1> to vector<10x100xi32>
    %sign3A_162 = arith.constant 0 : i32
    %sign3A_163 = vector.broadcast %sign3A_162 : i32 to vector<10x100xi32>
    %sign3A_164 = arith.cmpi slt, %iota3A_154, %sign3A_163 : vector<10x100xi32>
    %sign3A_165 = arith.extui %sign3A_164 : vector<10x100xi1> to vector<10x100xi32>
    %sign3A_166 = arith.subi %sign3A_161, %sign3A_165 : vector<10x100xi32>
    %sign3A_167 = arith.constant 0 : i32
    %sign3A_168 = arith.cmpi sgt, %jit3A_155, %sign3A_167 : i32
    %sign3A_169 = arith.extui %sign3A_168 : i1 to i32
    %sign3A_170 = arith.constant 0 : i32
    %sign3A_171 = arith.cmpi slt, %jit3A_155, %sign3A_170 : i32
    %sign3A_172 = arith.extui %sign3A_171 : i1 to i32
    %sign3A_173 = arith.subi %sign3A_169, %sign3A_172 : i32
    %ne3A_174 = vector.broadcast %sign3A_173 : i32 to vector<10x100xi32>
    %ne3A_175 = arith.cmpi ne, %sign3A_166, %ne3A_174 : vector<10x100xi32>
    %rem3A_176 = vector.broadcast %jit3A_155 : i32 to vector<10x100xi32>
    %rem3A_177 = arith.remsi %iota3A_154, %rem3A_176 : vector<10x100xi32>
    %ne3A_178 = arith.constant 0 : i32
    %ne3A_179 = vector.broadcast %ne3A_178 : i32 to vector<10x100xi32>
    %ne3A_180 = arith.cmpi ne, %rem3A_177, %ne3A_179 : vector<10x100xi32>
    %and3A_181 = arith.andi %ne3A_175, %ne3A_180 : vector<10x100xi1>
    %sub3A_182 = arith.constant 1 : i32
    %sub3A_183 = vector.broadcast %sub3A_182 : i32 to vector<10x100xi32>
    %sub3A_184 = arith.subi %div3A_157, %sub3A_183 : vector<10x100xi32>
    %select_n3A_185 = arith.select %and3A_181, %sub3A_184, %div3A_157 : vector<10x100xi1>, vector<10x100xi32>
    %iota3A_186 = tpu.iota {dimensions = array<i32: 0>} : vector<10x100xi32>
    %eq3A_187 = arith.cmpi eq, %select_n3A_185, %iota3A_186 : vector<10x100xi32>
    %convert_element_type3A_188 = arith.extui %eq3A_187 : vector<10x100xi1> to vector<10x100xi32>
    %convert_element_type3A_189 = arith.sitofp %convert_element_type3A_188 : vector<10x100xi32> to vector<10x100xf32>
    %iota3A_190 = tpu.iota {dimensions = array<i32: 0>} : vector<100x10xi32>
    %jit3A_191 = arith.constant 10 : i32
    %eq3A_192 = arith.constant 0 : i32
    %eq3A_193 = arith.cmpi eq, %jit3A_191, %eq3A_192 : i32
    %jit3A_194 = arith.constant 1 : i32
    %select_n3A_195 = arith.select %eq3A_193, %jit3A_194, %jit3A_191 : i32
    %rem3A_196 = vector.broadcast %select_n3A_195 : i32 to vector<100x10xi32>
    %rem3A_197 = arith.remsi %iota3A_190, %rem3A_196 : vector<100x10xi32>
    %ne3A_198 = arith.constant 0 : i32
    %ne3A_199 = vector.broadcast %ne3A_198 : i32 to vector<100x10xi32>
    %ne3A_200 = arith.cmpi ne, %rem3A_197, %ne3A_199 : vector<100x10xi32>
    %lt3A = arith.constant 0 : i32
    %lt3A_201 = vector.broadcast %lt3A : i32 to vector<100x10xi32>
    %lt3A_202 = arith.cmpi slt, %rem3A_197, %lt3A_201 : vector<100x10xi32>
    %lt3A_203 = arith.constant 0 : i32
    %lt3A_204 = arith.cmpi slt, %select_n3A_195, %lt3A_203 : i32
    %ne3A_205 = vector.broadcast %lt3A_204 : i1 to vector<100x10xi1>
    %ne3A_206 = vector.broadcast %ne3A_205 : vector<100x10xi1> to vector<100x10xi1>
    %ne3A_207 = arith.xori %lt3A_202, %ne3A_206 : vector<100x10xi1>
    %and3A_208 = arith.andi %ne3A_207, %ne3A_200 : vector<100x10xi1>
    %add3A_209 = vector.broadcast %select_n3A_195 : i32 to vector<100x10xi32>
    %add3A_210 = arith.addi %rem3A_197, %add3A_209 : vector<100x10xi32>
    %select_n3A_211 = arith.select %and3A_208, %add3A_210, %rem3A_197 : vector<100x10xi1>, vector<100x10xi32>
    %iota3A_212 = tpu.iota {dimensions = array<i32: 1>} : vector<100x10xi32>
    %eq3A_213 = arith.cmpi eq, %select_n3A_211, %iota3A_212 : vector<100x10xi32>
    %convert_element_type3A_214 = arith.extui %eq3A_213 : vector<100x10xi1> to vector<100x10xi32>
    %convert_element_type3A_215 = arith.sitofp %convert_element_type3A_214 : vector<100x10xi32> to vector<100x10xf32>
    %mul3A = vector.broadcast %add3A_153 : vector<100x1xf32> to vector<100x10xf32>
    %mul3A_216 = arith.mulf %mul3A, %convert_element_type3A_215 : vector<100x10xf32>
    %dot_general3A_217 = arith.constant dense<0.000000e+00> : vector<10x10xf32>
    %dot_general3A_218 = tpu.matmul %convert_element_type3A_189, %mul3A_216, %dot_general3A_217 {dimension_numbers = #tpu.dot_dimension_numbers<[1], [0], [0], [1], [0, 0, 1, 1], [], []>, precision = #tpu.contract_precision<fp32>, transpose_lhs_hint = false} : vector<10x100xf32>, vector<100x10xf32>, vector<10x10xf32> -> vector<10x10xf32>
    %reduce_max3A = arith.constant dense<0xFF800000> : vector<10xf32>
    %reduce_max3A_219 = vector.multi_reduction <maximumf>, %dot_general3A_218, %reduce_max3A [1] : vector<10x10xf32> to vector<10xf32>
    %broadcast_in_dim3A = vector.shape_cast %reduce_max3A_219 : vector<10xf32> to vector<10x1xf32>
    %sub3A_220 = vector.broadcast %broadcast_in_dim3A : vector<10x1xf32> to vector<10x10xf32>
    %sub3A_221 = arith.subf %dot_general3A_218, %sub3A_220 : vector<10x10xf32>
    %exp3A = math.exp %sub3A_221 : vector<10x10xf32>
    %reduce_sum3A = arith.constant dense<0.000000e+00> : vector<10xf32>
    %reduce_sum3A_222 = vector.multi_reduction <add>, %exp3A, %reduce_sum3A [1] : vector<10x10xf32> to vector<10xf32>
    %broadcast_in_dim3A_223 = vector.shape_cast %reduce_sum3A_222 : vector<10xf32> to vector<10x1xf32>
    %div3A_224 = vector.broadcast %broadcast_in_dim3A_223 : vector<10x1xf32> to vector<10x10xf32>
    %div3A_225 = arith.divf %exp3A, %div3A_224 : vector<10x10xf32>
    %swap3A = arith.constant 0 : index
    %swap3A_226 = arith.constant 0 : index
    %swap3A_227 = vector.load %arg16[%swap3A, %swap3A_226] : memref<10x10xf32, #tpu.memory_space<vmem>>, vector<10x10xf32>
    tpu.vector_store %arg16[%swap3A, %swap3A_226], %div3A_225 {strides = array<i32>} : memref<10x10xf32, #tpu.memory_space<vmem>>, vector<10x10xf32>,
    return
  }
}

</mosaic_0001>

<sc_bundles>
// kernel: kernel.4.cloned.1.call-start
scs
__scs_entry_jumppad:
0x0: {  	(pc) =	sbr.rel $0x88, $3  }
0x1: {  	(tag) =	ssettag $0x0;
	lr =	simm.s32 $0x1  }
0x2: {  	[smem:$0x3F92] =	sst lr;
	_ =	strace $0xD0000000  }
0x3: {  	_ = 	snop  }
0x4: {  	_ = 	snop  }
0x5: {  	_ = 	snop  }
0x6: {  	_ = 	snop  }
0x7: {  	_ = 	snop  }
__scs_overlays_trampoline_lowered:
0x8: {  	[smem:$0x3FA1] =	sst s0  }
0x9: {  	[smem:$0x3FA2] =	sst s1  }
0xa: {  	[smem:$0x3FA3] =	sst s2  }
0xb: {  	[smem:$0x3FA4] =	sst s3  }
0xc: {  	[smem:$0x3FA5] =	sst s4  }
0xd: {  	[smem:$0x3FA6] =	sst s5  }
0xe: {  	[smem:$0x3FA7] =	sst s6  }
0xf: {  	[smem:$0x3FA8] =	sst s7  }
0x10: {  	[smem:$0x3FA9] =	sst s8  }
0x11: {  	[smem:$0x3FAA] =	sst s9;
	s0 =	simm.s32 @!p0 $0x0  }
0x12: {  	s1 =	sld [smem:$0x3F90];
	s0 =	simm.s32 @p0 $0x1  }
0x13: {  	[smem:$0x3FAB] =	sst s0;
	s0 =	simm.s32 @!p1 $0x0  }
0x14: {  	s2 =	sld [smem:$0x3F8F];
	s0 =	simm.s32 @p1 $0x1  }
0x15: {  	[smem:$0x3FAC] =	sst s0;
	s0 =	simm.s32 @!p2 $0x0  }
0x16: {  	s3 =	sld [smem:$0x3FDB];
	s0 =	simm.s32 @p2 $0x1  }
0x17: {  	s4 =	simm.s32 $0x1BF5;
	[smem:$0x3FAE] =	sst s0  }
0x18: {  	s0 =	sld [smem:$0x3F91];
	_ =	swait.ge [sflag:s4], $0x0  }
0x19: {  	s7 =	sld [smem:$0x3F92]  }
0x1a: {  	s8 =	sadd.s32 $0xFFFFE003, lr  }
0x1b: {  	s9 =	sadd.s32 $0xFFFFFEF7, lr;
	s5 =	simm.s32 $0xFFFFFFFF;
	p2 =	slt.u32 s8, $0xFFFFF086  }
0x1c: {  	p1 =	slt.u32 s9, $0xF7A;
	s5 =	simm.s32 @!p2 $0x0  }
0x1d: {  	s5 =	simm.s32 @p1 $0x1;
	p0 =	seq.s32 s7, s2  }
0x1e: {  	s7 =	smul.u32 @!p0 $0xF7A, s2;
	p2 =	seq.s32 @!p0 s5, $0x0  }
0x1f: {  	s9 =	smul.u32 $0xF7A, s1;
	s8 =	simm.s32 @!p0 $0x1BF5;
	p2 =	por !p2, p0  }
0x20: {  	[sflag:s8] =	ssyncset.s32 @!p0 $0xFFFFF086;
	s6 =	sadd.s32 @!p0 s3, s7;
	s7 =	simm.s32 @!p0 $0x108  }
0x21: {  	s3 =	sadd.s32 s3, s9;
	s6 =	sadd.s32 @!p0 $0x88, s6;
	s7 =	simm.s32 @p2 $0x1082  }
0x22: {  	[simem:s7], [sflag:s8] =	dma.local @!p0 [hbm:s6], $0xF7A  }
0x23: {  	s9 =	sor.u32 $0xD0000000, s2;
	s6 =	simm.s32 $0x108;
	_ =	swait.ge @!p0 [sflag:s8], $0x0  }
0x24: {  	s3 =	sadd.s32 $0x88, s3;
	s6 =	simm.s32 @!p1 $0x1082;
	[sflag:s4] =	ssyncset.s32 $0xFFFFF086  }
0x25: {  	[simem:s6], [sflag:s4] =	dma.local [hbm:s3], $0xF7A  }
0x26: {  	[smem:$0x3F92] =	sst s1;
	(tag) =	ssettag s2;
	_ =	strace s9  }
0x27: {  	s1 =	sld [smem:$0x3FA2]  }
0x28: {  	s2 =	sld [smem:$0x3FA3]  }
0x29: {  	s4 =	sld [smem:$0x3FA5]  }
0x2a: {  	p0 =	seq.s32 s5, $0x0;
	s5 =	sld [smem:$0x3FA6]  }
0x2b: {  	s6 =	sld [smem:$0x3FA7]  }
0x2c: {  	s7 =	sld [smem:$0x3FA8]  }
0x2d: {  	s3 =	simm.s32 $0x108;
	s8 =	sld [smem:$0x3FA9]  }
0x2e: {  	s3 =	simm.s32 @!p0 $0x1082;
	s9 =	sld [smem:$0x3FAA]  }
0x2f: {  	lr =	sadd.s32 s0, s3;
	s0 =	sld [smem:$0x3FA1]  }
0x30: {  	s3 =	sld [smem:$0x3FA4]  }
0x31: {  	[smem:$0x3FAD] =	sst s10  }
0x32: {  	s10 =	sld [smem:$0x3FAB];
	_ =	sdelay $0x3  }
0x33: {  	p0 =	seq.s32 s10, $0x1;
	s10 =	sld [smem:$0x3FAD];
	_ =	sdelay $0x3  }
0x34: {  	[smem:$0x3FAD] =	sst s10  }
0x35: {  	s10 =	sld [smem:$0x3FAC];
	_ =	sdelay $0x3  }
0x36: {  	p1 =	seq.s32 s10, $0x1;
	s10 =	sld [smem:$0x3FAD];
	_ =	sdelay $0x3  }
0x37: {  	[smem:$0x3FAD] =	sst s10  }
0x38: {  	s10 =	sld [smem:$0x3FAE]  }
0x39: {  	_ = 	snop;
	(pc) =	sbr.ind lr, $3  }
0x3a: {  	_ = 	snop  }
0x3b: {  	_ = 	snop  }
0x3c: {  	p2 =	seq.s32 s10, $0x1;
	s10 =	sld [smem:$0x3FAD]  }
0x3d: {  	_ =	shalt  }
0x3e: {  	_ =	shalt  }
0x3f: {  	_ =	shalt  }
0x40: {  	_ =	shalt  }
0x41: {  	_ =	shalt  }
0x42: {  	_ =	shalt  }
0x43: {  	_ =	shalt  }
0x44: {  	_ =	shalt  }
0x45: {  	_ =	shalt  }
0x46: {  	_ =	shalt  }
0x47: {  	_ =	shalt  }
0x48: {  	_ =	shalt  }
0x49: {  	_ =	shalt  }
0x4a: {  	_ =	shalt  }
0x4b: {  	_ =	shalt  }
0x4c: {  	_ =	shalt  }
0x4d: {  	_ =	shalt  }
0x4e: {  	_ =	shalt  }
0x4f: {  	_ =	shalt  }
0x50: {  	_ =	shalt  }
0x51: {  	_ =	shalt  }
0x52: {  	_ =	shalt  }
0x53: {  	_ =	shalt  }
0x54: {  	_ =	shalt  }
0x55: {  	_ =	shalt  }
0x56: {  	_ =	shalt  }
0x57: {  	_ =	shalt  }
0x58: {  	_ =	shalt  }
0x59: {  	_ =	shalt  }
0x5a: {  	_ =	shalt  }
0x5b: {  	_ =	shalt  }
0x5c: {  	_ =	shalt  }
0x5d: {  	_ =	shalt  }
0x5e: {  	_ =	shalt  }
0x5f: {  	_ =	shalt  }
0x60: {  	_ =	shalt  }
0x61: {  	_ =	shalt  }
0x62: {  	_ =	shalt  }
0x63: {  	_ =	shalt  }
0x64: {  	_ =	shalt  }
0x65: {  	_ =	shalt  }
0x66: {  	_ =	shalt  }
0x67: {  	_ =	shalt  }
0x68: {  	_ =	shalt  }
0x69: {  	_ =	shalt  }
0x6a: {  	_ =	shalt  }
0x6b: {  	_ =	shalt  }
0x6c: {  	_ =	shalt  }
0x6d: {  	_ =	shalt  }
0x6e: {  	_ =	shalt  }
0x6f: {  	_ =	shalt  }
0x70: {  	_ =	shalt  }
0x71: {  	_ =	shalt  }
0x72: {  	_ =	shalt  }
0x73: {  	_ =	shalt  }
0x74: {  	_ =	shalt  }
0x75: {  	_ =	shalt  }
0x76: {  	_ =	shalt  }
0x77: {  	_ =	shalt  }
0x78: {  	_ =	shalt  }
0x79: {  	_ =	shalt  }
0x7a: {  	_ =	shalt  }
0x7b: {  	_ =	shalt  }
0x7c: {  	_ =	shalt  }
0x7d: {  	_ =	shalt  }
0x7e: {  	_ =	shalt  }
0x7f: {  	_ =	shalt  }
0x80: {  	_ =	shalt  }
0x81: {  	_ =	shalt  }
0x82: {  	_ =	shalt  }
0x83: {  	_ =	shalt  }
0x84: {  	_ =	shalt  }
0x85: {  	_ =	shalt  }
0x86: {  	_ =	shalt  }
0x87: {  	_ =	shalt  }
.Lfunc_end0:
.L_simem_size_0:
called_computation_lowered:
.L_overlay_start_0:
0x88: {  	s2 =	sld [smem:$0x3FD9]  }
0x89: {  	s3 =	sld [smem:$0x3FFE];
	_ =	sdelay $0x1  }
0x8a: {  	s1 =	srdreg.scid  }
0x8b: {  	s0 =	sand.u32 $0x1, s1  }
0x8c: {  	s16 =	sshll.u32 s0, $0xA;
	s2 =	sadd.s32 s3, s2  }
0x8d: {  	s2 =	sadd.s32 s2, s16  }
0x8e: {  	[smem:$0x3FB9] =	sst s2  }
0x8f: {  	_ = 	snop  }
0x90: {  	(tm) =	ssettm $0x1  }
0x91: {  	s17 =	sld [smem:$0x3FFB];
	_ =	sdelay $0x3  }
0x92: {  	_ =	strace s17  }
0x93: {  	s2 =	sld [smem:$0x3FFC];
	_ =	sdelay $0x3  }
0x94: {  	_ =	strace s2  }
0x95: {  	s2 =	sld [smem:$0x3FFD];
	_ =	sdelay $0x3  }
0x96: {  	_ =	strace s2  }
0x97: {  	_ =	strace $0x8FFFFFFF  }
0x98: {  	s18 =	sld [smem:$0x3FDB];
	_ =	sdelay $0x1  }
0x99: {  	s19 =	simm.s32 $_scs_section_size  }
0x9a: {  	s4 =	simm.s32 $_size__tile_overlayer_lowered;
	s5 =	simm.s32 $_tile_overlayer_lowered  }
0x9b: {  	s22 =	simm.s32 $0x1BFF;
	s21 =	sshll.u32 s5, $0x1;
	s2 =	sadd.s32 s19, s18  }
0x9c: {  	s6 =	simm.s32 $0x0;
	s20 =	sshll.u32 s4, $0x1;
	s4 =	sadd.s32 s21, s2  }
0x9d: {  	[timem:s6], [sflag:s22] =	dma.local [hbm:s4], s20  }
0x9e: {  	_ =	swait.ge [sflag:s22], s20  }
0x9f: {  	s3 =	ssub.s32 $0x0, s20;
	[sflag:s22] =	ssyncset.done $0x0  }
0xa0: {  	[sflag:s22] =	ssyncadd.s32 s3;
	_ =	sdelay $0x1  }
0xa1: {  	s23 =	simm.s32 $0x1B8B  }
0xa2: {  	_ =	swait.ge [sflag:s23], $0x1  }
0xa3: {  	[sflag:s23] =	ssyncset.done $0x0  }
0xa4: {  	s25 =	simm.s32 $0x1B8E;
	s24 =	sld [smem:$0x3FFE];
	[sflag:s23] =	ssyncadd.s32 $0xFFFFFFFF  }
0xa5: {  	s26 =	simm.s32 $execute0_lowered;
	[smem:$0x3FD2] =	sst s25  }
0xa6: {  	s4 =	sshll.u32 s26, $0x1;
	_ =	strace $0x80000046;
	[dreg:$0x1] =	wrdreg $0xFFFFFFFF  }
0xa7: {  	s28 =	simm.s32 $_size_execute0_lowered;
	s2 =	sadd.s32 s2, s4;
	[dreg:$0x0] =	wrdreg $0x0  }
0xa8: {  	s4 =	sshll.u32 s28, $0x1;
	[dreg:$0x2] =	wrdreg s2  }
0xa9: {  	[dreg:$0x3] =	wrdreg s4  }
0xaa: {  	[dreg:$0x4] =	wrdreg $0xC0  }
0xab: {  	_ =	task [dreg:s6], $0x5FFFF  }
0xac: {  	[dreg:$0x1] =	wrdreg $0xFFFFFFFF  }
0xad: {  	[dreg:$0x0] =	wrdreg $0x60  }
0xae: {  	[dreg:$0x2] =	wrdreg s24  }
0xaf: {  	[dreg:$0x3] =	wrdreg $0x156000  }
0xb0: {  	[dreg:$0x4] =	wrdreg $0x159400  }
0xb1: {  	[dreg:$0x5] =	wrdreg $0x9  }
0xb2: {  	_ =	task.clear_ibuf [dreg:s6], $0x6FFFF;
	_ =	strace $0x90000046  }
0xb3: {  	s29 =	simm.s32 $0x9;
	_ =	strace $0x80000048  }
0xb4: {  	_ =	swait.ge [sflag:s29], $0x1  }
0xb5: {  	[sflag:s29] =	ssyncadd.s32 $0xFFFFFFFF  }
0xb6: {  	_ =	strace $0x90000048  }
0xb7: {  	_ =	sfence  }
0xb8: {  	s30 =	sld [smem:$0x0];
	_ =	sdelay $0x2  }
0xb9: {  	s31 =	sshll.u32 s1, $0xD;
	s1 =	sshrl.u32 s1, $0x2  }
0xba: {  	s3 =	sand.u32 $0x4000, s31;
	s1 =	sadd.s32 s1, s30  }
0xbb: {  	s0 =	sor.u32 s3, s0;
	s1 =	sshll.u32 s1, $0x11  }
0xbc: {  	s0 =	sor.u32 s1, s0  }
0xbd: {  	s0 =	sadd.s32 $0x8F2B, s0  }
0xbe: {  	[sflag:s0] =	ssyncadd.remote.s32 $0x1  }
0xbf: {  	_ =	sfence.sel $0xFFFF  }
0xc0: {  	[dreg:$0x0] =	wrdreg $0xFFFFFFFF;
	(pc) =	sbr.abs _section_cstart, $3  }
0xc1: {  	[dreg:$0x1] =	wrdreg $0xFFFFFFFF  }
0xc2: {  	_ =	task.clear_ibuf [dreg:s6], $0x2FFFF;
	_ =	strace $0x9FFFFFFF  }
0xc3: {  	(tm) =	ssettm $0x7FFFFFFF  }
tec
execute0_lowered:
.L_overlay_start_1:
0x0: {  	(tag) =	ssettag $0x1  }
0x1: {  	s4 =	rddreg [dreg:$0x0]  }
0x2: {  	s0 =	srdreg.scid;
	s1 =	rddreg [dreg:$0x1]  }
0x3: {  	s23 =	stileid.u32;
	s2 =	rddreg [dreg:$0x2]  }
0x4: {  	s3 =	simm.s32 $0x0;
	s13 =	simm.s32 $0x2780;
	s14 =	simm.s32 $0x12200  }
0x5: {  	s15 =	simm.s32 $0x4F00;
	s16 =	simm.s32 $0x7780;
	s17 =	simm.s32 $0x80  }
0x6: {  	s18 =	simm.s32 $0xA180;
	s19 =	simm.s32 $0xA200;
	s20 =	simm.s32 $0x1  }
0x7: {  	s21 =	simm.s32 $0xA100;
	s22 =	simm.s32 $0xE200;
	s5 =	sand.u32 $0x1, s0  }
0x8: {  	s29 =	sshll.u32 s23, $0x1;
	s7 =	smul.u32 $0x3E80, s23;
	[smem:$0x7FF] =	sst s3  }
0x9: {  	s9 =	smul.u32 $0x7D000, s23;
	s31 =	sshll.u32 s23, $0xA;
	p0 =	sgt.u32 s23, $0x4  }
0xa: {  	p1 =	sgt.u32 s23, $0xC;
	p2 =	sne.s32 s23, $0x0;
	s0 =	sor.u32 s5, s29  }
0xb: {  	s8 =	smul.u32 $0x680, s5;
	s5 =	ssub.s32 $0x2, s5;
	s12 =	sshll.u32 @!p0 s23, $0x6  }
0xc: {  	s23 =	simm.s32 $0x0;
	s6 =	smul.u32 $0x4E2, s0;
	s0 =	rddreg [dreg:$0x3]  }
0xd: {  	_ =	strace $0x80000047;
	s7 =	sadd.s32 s7, s4;
	s30 =	sshrl.u32 s5, $0x1  }
.Ltmp0:
0xe: {  	s9 =	sshrl.u32 s9, $0x2;
	s8 =	sadd.s32 s8, s4;
	(pc) =	sbr.rel .LBB2_1-.Ltmp0, $4  }
0xf: {  	s10 =	ssub.s32 s5, s30;
	s11 =	sadd.s32 s9, s2;
	s6 =	sadd.s32 s6, s4  }
0x10: {  	s4 =	sadd.s32 $0x15800, s7;
	s7 =	sadd.s32 s31, s1;
	s8 =	sadd.s32 $0x29200, s8  }
0x11: {  	s9 =	smax.u32 s10, $0x1;
	s10 =	sor.u32 @!p0 $0x1C02, s12;
	s11 =	sshrl.u32 @!p0 s11, $0x3  }
0x12: {  	v0 =	vimm.f32 $0.0e+00;
	v1 =	vimm.s32 $0x0;
	v2 =	vimm.s32 $0x64;
	s12 =	simm.s32 $0x3;
	s5 =	sadd.s32 $0xBA00, s6;
	s6 =	sadd.s32 $0x1C00, s6  }
.LBB2_10:
0x13: {  	[bflag:$0x0] =	sbarrier.arrive $0xFFFF  }
0x14: {  	s24 =	sshrl.u32 @!p2 s1, $0x3;
	s25 =	simm.s32 @!p2 $0x1C03;
	s23 =	sadd.s32 $0x1, s23  }
0x15: {  	[hbm:s8], [sflag:s25] =	dma.local @!p2 [spmem:s24], $0x680  }
0x16: {  	p3 =	sne.s32 s23, s9  }
.Ltmp1:
0x17: {  	_ = 	snop;
	(pc) =	sbr.rel @!p3 .LBB2_11-.Ltmp1, $4  }
0x18: {  	s24 =	simm.s32 @!p2 $0x3  }
0x19: {  	_ =	swait.ge @!p2 [sflag:s24], $0x680  }
0x1a: {  	[sflag:s24] =	ssyncset.done @!p2 $0x0  }
0x1b: {  	[sflag:s24] =	ssyncadd.s32 @!p2 $0xFFFFF980  }
.LBB2_1:
0x1c: {  	[spmem:s11], [sflag:s10] =	dma.local @!p0 [hbm:s4], $0x3E80  }
0x1d: {  	s24 =	simm.s32 @!p0 $0x2  }
0x1e: {  	_ =	swait.ge @!p0 [sflag:s24], $0x3E80  }
0x1f: {  	[sflag:s24] =	ssyncset.done @!p0 $0x0  }
0x20: {  	[sflag:s24] =	ssyncadd.s32 @!p0 $0xFFFFC180  }
0x21: {  	[tilespmem:s3], [sflag:$0x3] =	stream.linear.gather [hbm4b:s5+s3], $0x2710, $0x38;
	[tilespmem:$0x1F580] =	vst v63  }
0x22: {  	_ =	swait.ge [sflag:s12], $0x2710  }
0x23: {  	[sflag:s12] =	ssyncset.done $0x0  }
.Ltmp2:
0x24: {  	[sflag:s12] =	ssyncadd.s32 $0xFFFFD8F0;
	(pc) =	sbr.rel @p1 .LBB2_3-.Ltmp2, $4  }
0x25: {  	[tilespmem:s13], [sflag:$0x3] =	stream.linear.gather [hbm4b:s6+s3], $0x2710, $0x38;
	[tilespmem:$0x1F580] =	vst v63  }
0x26: {  	_ =	swait.ge [sflag:s12], $0x2710  }
0x27: {  	[sflag:s12] =	ssyncset.done $0x0  }
0x28: {  	[sflag:s12] =	ssyncadd.s32 $0xFFFFD8F0  }
0x29: {  	[tilespmem:$0x12200] =	vst v0  }
0x2a: {  	[tilespmem:$0x12210] =	vst v0  }
0x2b: {  	[tilespmem:$0x12220] =	vst v0  }
0x2c: {  	[tilespmem:$0x12230] =	vst v0  }
0x2d: {  	[tilespmem:$0x12240] =	vst v0  }
0x2e: {  	[tilespmem:$0x12250] =	vst v0  }
0x2f: {  	[tilespmem:$0x12260] =	vst v0  }
0x30: {  	[tilespmem:$0x12270] =	vst v0  }
0x31: {  	[tilespmem:$0x12280] =	vst v0  }
0x32: {  	[tilespmem:$0x12290] =	vst v0  }
0x33: {  	[tilespmem:$0x122A0] =	vst v0  }
0x34: {  	[tilespmem:$0x122B0] =	vst v0  }
0x35: {  	[tilespmem:$0x122C0] =	vst v0  }
0x36: {  	[tilespmem:$0x122D0] =	vst v0  }
0x37: {  	[tilespmem:$0x122E0] =	vst v0  }
0x38: {  	[tilespmem:$0x122F0] =	vst v0  }
0x39: {  	[tilespmem:$0x12300] =	vst v0  }
0x3a: {  	[tilespmem:$0x12310] =	vst v0  }
0x3b: {  	[tilespmem:$0x12320] =	vst v0  }
0x3c: {  	[tilespmem:$0x12330] =	vst v0  }
0x3d: {  	[tilespmem:$0x12340] =	vst v0  }
0x3e: {  	[tilespmem:$0x12350] =	vst v0  }
0x3f: {  	[tilespmem:$0x12360] =	vst v0  }
0x40: {  	[tilespmem:$0x12370] =	vst v0  }
0x41: {  	[tilespmem:$0x12380] =	vst v0  }
0x42: {  	[tilespmem:$0x12390] =	vst v0  }
0x43: {  	[tilespmem:$0x123A0] =	vst v0  }
0x44: {  	[tilespmem:$0x123B0] =	vst v0  }
0x45: {  	[tilespmem:$0x123C0] =	vst v0  }
0x46: {  	[tilespmem:$0x123D0] =	vst v0  }
0x47: {  	[tilespmem:$0x123E0] =	vst v0  }
0x48: {  	[tilespmem:$0x123F0] =	vst v0  }
0x49: {  	[tilespmem:$0x12400] =	vst v0  }
0x4a: {  	[tilespmem:$0x12410] =	vst v0  }
0x4b: {  	[tilespmem:$0x12420] =	vst v0  }
0x4c: {  	[tilespmem:$0x12430] =	vst v0  }
0x4d: {  	[tilespmem:$0x12440] =	vst v0  }
0x4e: {  	[tilespmem:$0x12450] =	vst v0  }
0x4f: {  	[tilespmem:$0x12460] =	vst v0  }
0x50: {  	[tilespmem:$0x12470] =	vst v0  }
0x51: {  	[tilespmem:$0x12480] =	vst v0  }
0x52: {  	[tilespmem:$0x12490] =	vst v0  }
0x53: {  	[tilespmem:$0x124A0] =	vst v0  }
0x54: {  	[tilespmem:$0x124B0] =	vst v0  }
0x55: {  	[tilespmem:$0x124C0] =	vst v0  }
0x56: {  	[tilespmem:$0x124D0] =	vst v0  }
0x57: {  	[tilespmem:$0x124E0] =	vst v0  }
0x58: {  	[tilespmem:$0x124F0] =	vst v0  }
0x59: {  	[tilespmem:$0x12500] =	vst v0  }
0x5a: {  	[tilespmem:$0x12510] =	vst v0  }
0x5b: {  	[tilespmem:$0x12520] =	vst v0  }
0x5c: {  	[tilespmem:$0x12530] =	vst v0  }
0x5d: {  	[tilespmem:$0x12540] =	vst v0  }
0x5e: {  	[tilespmem:$0x12550] =	vst v0  }
0x5f: {  	[tilespmem:$0x12560] =	vst v0  }
0x60: {  	[tilespmem:$0x12570] =	vst v0  }
0x61: {  	[tilespmem:$0x12580] =	vst v0  }
0x62: {  	[tilespmem:$0x12590] =	vst v0  }
0x63: {  	[tilespmem:$0x125A0] =	vst v0  }
0x64: {  	[tilespmem:$0x125B0] =	vst v0  }
0x65: {  	[tilespmem:$0x125C0] =	vst v0  }
0x66: {  	[tilespmem:$0x125D0] =	vst v0  }
0x67: {  	[tilespmem:$0x125E0] =	vst v0  }
0x68: {  	[tilespmem:$0x125F0] =	vst v0  }
0x69: {  	[spmem:s7] =	stream.linear.scatter [tilespmem:s14], [sflag:$0x3], $0x400, $0x38;
	[tilespmem:$0x1F580] =	vst v63  }
0x6a: {  	_ =	swait.ge [sflag:s12], $0x400  }
0x6b: {  	[sflag:s12] =	ssyncset.done $0x0  }
0x6c: {  	[sflag:s12] =	ssyncadd.s32 $0xFFFFFC00  }
.LBB2_3:
0x6d: {  	s24 =	simm.s32 $0x27C0  }
0x6e: {  	v3 =	vld [tilespmem:s24+$0x30]  }
0x6f: {  	v4 =	vld [tilespmem:s24+$0x20]  }
0x70: {  	v5 =	vld [tilespmem:s24+$0x10]  }
0x71: {  	v6 =	vld [tilespmem:s24+$0x0]  }
0x72: {  	v7 =	vld [tilespmem:s24+$0xFFFFFFF0]  }
0x73: {  	v8 =	vld [tilespmem:s24+$0xFFFFFFE0]  }
0x74: {  	s25 =	simm.s32 $0x0;
	v9 =	vld [tilespmem:s24+$0xFFFFFFD0]  }
0x75: {  	v10 =	vmov s25;
	v11 =	vld [tilespmem:s24+$0xFFFFFFC0]  }
0x76: {  	v10 =	vadd.s32 $0xFFFFFFFF, v10  }
0x77: {  	v10 =	vbroadcast v10, $0x0  }
0x78: {  	v12 =	vmul.u32 $0x10625, v3;
	v13 =	vmul.u32 $0x10625, v6;
	v14 =	vmul.u32 $0x10625, v4  }
0x79: {  	v15 =	vmul.u32 $0x10625, v5;
	v16 =	vmul.u32 $0x10625, v9;
	v17 =	vmul.u32 $0x10625, v7  }
0x7a: {  	v18 =	vmul.u32 $0x10625, v8;
	v19 =	vmul.u32 $0x10625, v11;
	v14 =	vshrl.u32 v14, $0x1A  }
0x7b: {  	v12 =	vshrl.u32 v12, $0x1A;
	v17 =	vshrl.u32 v17, $0x1A;
	v13 =	vshrl.u32 v13, $0x1A  }
0x7c: {  	v15 =	vshrl.u32 v15, $0x1A;
	v19 =	vshrl.u32 v19, $0x1A;
	v16 =	vshrl.u32 v16, $0x1A  }
0x7d: {  	v18 =	vshrl.u32 v18, $0x1A;
	v20 =	vmul.u32 $0xFFFFFC18, v15;
	v23 =	vmul.u32 $0xFFFFFC18, v19  }
0x7e: {  	v21 =	vmul.u32 $0xFFFFFC18, v14;
	v22 =	vmul.u32 $0xFFFFFC18, v12;
	v24 =	vmul.u32 $0xFFFFFC18, v17  }
0x7f: {  	v25 =	vmul.u32 $0xFFFFFC18, v13;
	v26 =	vmul.u32 $0xFFFFFC18, v16;
	v11 =	vadd.s32 v11, v23  }
0x80: {  	v27 =	vmul.u32 $0xFFFFFC18, v18;
	v3 =	vadd.s32 v3, v22;
	vm7 =	vgt.s32 v11, $0x3DD  }
0x81: {  	v5 =	vadd.s32 v5, v20;
	v9 =	vadd.s32 v9, v26;
	v20 =	vmpcnt.ones.xlane vm7  }
0x82: {  	v8 =	vadd.s32 v8, v27;
	v7 =	vadd.s32 v7, v24;
	vm0 =	vgt.s32 v9, $0x3DD  }
0x83: {  	vm1 =	vgt.s32 v8, $0x3DD;
	v22 =	vmpcnt.ones.xlane vm0;
	(v2sf) =	vpush v20, $0x0  }
0x84: {  	v6 =	vadd.s32 v6, v25;
	vm2 =	vgt.s32 v7, $0x3DD;
	v23 =	vmpcnt.ones.xlane vm1  }
0x85: {  	vm3 =	vgt.s32 v6, $0x3DD;
	v20 =	vmpcnt.ones.xlane vm2;
	(v2sf) =	vpush v22, $0x0  }
0x86: {  	v4 =	vadd.s32 v4, v21;
	v21 =	vmpcnt.ones.xlane vm3;
	(v2sf) =	vpush v23, $0x0  }
0x87: {  	vm4 =	vgt.s32 v5, $0x3DD;
	vm5 =	vgt.s32 v4, $0x3DD;
	(v2sf) =	vpush v20, $0x0  }
0x88: {  	v20 =	vmpcnt.ones.xlane vm4;
	(v2sf) =	vpush v21, $0x0;
	v21 =	vsel vm7, $0x1, v1  }
0x89: {  	v19 =	vmul.u32 $0xA, v19;
	vm6 =	vgt.s32 v3, $0x3DD;
	v22 =	vmpcnt.ones.xlane vm5;
	(xrf0) =	vadd.scan.msk.s32 $0xffff, v21  }
0x8a: {  	v16 =	vmul.u32 $0xA, v16;
	v23 =	vmpcnt.ones.xlane vm6;
	(v2sf) =	vpush v20, $0x0  }
0x8b: {  	v18 =	vmul.u32 $0xA, v18;
	v20 =	vsel vm0, $0x1, v1;
	(v2sf) =	vpush v22, $0x0  }
0x8c: {  	v17 =	vmul.u32 $0xA, v17;
	v62 =	vsel vm1, $0x1, v1;
	(xrf0) =	vadd.scan.msk.s32 $0xffff, v20;
	(v2sf) =	vpush v23, $0x0  }
0x8d: {  	v13 =	vmul.u32 $0xA, v13;
	v15 =	vmul.u32 $0xA, v15;
	v21 =	vsel vm2, $0x1, v1;
	(xrf0) =	vadd.scan.msk.s32 $0xffff, v62  }
0x8e: {  	v14 =	vmul.u32 $0xA, v14;
	v12 =	vmul.u32 $0xA, v12;
	v22 =	vsel vm3, $0x1, v1;
	(xrf0) =	vadd.scan.msk.s32 $0xffff, v21  }
0x8f: {  	v9 =	vadd.s32 v9, v16;
	v16 =	vadd.s32 v8, v18;
	v20 =	vsel vm4, $0x1, v1;
	(xrf0) =	vadd.scan.msk.s32 $0xffff, v22;
	v8, _, _ =	vpop (xrf0)  }
0x90: {  	v19 =	vadd.s32 v11, v19;
	v23 =	vsel vm5, $0x1, v1;
	(xrf0) =	vadd.scan.msk.s32 $0xffff, v20;
	v10 =	vadd.s32 v8, v10  }
0x91: {  	v7 =	vadd.s32 v7, v17;
	v6 =	vadd.s32 v6, v13;
	v63 =	vsel vm6, $0x1, v1;
	(xrf0) =	vadd.scan.msk.s32 $0xffff, v23  }
0x92: {  	s24 =	simm.s32 $0x40;
	v17 =	vadd.s32 v5, v15;
	v18 =	vadd.s32 v4, v14;
	v12 =	vadd.s32 v3, v12;
	v8, _, _ =	vpop (xrf0);
	(xrf0) =	vadd.scan.msk.s32 $0xffff, v63;
	s31 =	spop (v2sf)  }
0x93: {  	v3 =	vadd.s32 $0xFFFFFC22, v9;
	v9 =	vadd.s32 $0xFFFFFC22, v18;
	v18 =	vld [tilespmem:s24+$0xFFFFFFC0];
	v11 =	vnsel vm7, $0x2800, v10;
	v10, _, _ =	vpop (xrf0);
	s26 =	sadd.s32 $0x0, s31  }
0x94: {  	v5 =	vadd.s32 $0xFFFFFC22, v7;
	v7 =	vadd.s32 $0xFFFFFC22, v17;
	v13, _, _ =	vpop (xrf0);
	v17 =	vmov s26  }
0x95: {  	s28 =	spop (v2sf);
	v14, _, _ =	vpop (xrf0)  }
0x96: {  	s25 =	simm.s32 $0x0;
	v15 =	vadd.s32 $0xFFFFFC22, v19;
	v4 =	vadd.s32 $0xFFFFFC22, v16;
	v6 =	vadd.s32 $0xFFFFFC22, v6;
	s26 =	sadd.s32 s26, s28;
	s28 =	spop (v2sf);
	v16, _, _ =	vpop (xrf0)  }
0x97: {  	v12 =	vadd.s32 $0xFFFFFC22, v12;
	v19 =	vadd.s32 $0xFFFFFFFF, v17;
	v20 =	vmov s26;
	s28 =	sadd.s32 s26, s28;
	s26 =	simm.s32 $0x2840;
	s29 =	spop (v2sf);
	v17, _, _ =	vpop (xrf0)  }
.LBB2_4:
0x98: {  	s25 =	sadd.s32 $0x8, s25;
	[tilespmem:v11+s15+$0x0] =	vst.idx.msk $0xffff, v18;
	v18 =	vbroadcast v19, $0x0;
	v19 =	vadd.s32 $0xFFFFFFFF, v20;
	v20 =	vmov s28;
	s28 =	sadd.s32 s28, s29;
	s29 =	spop (v2sf);
	v21, _, _ =	vpop (xrf0)  }
0x99: {  	p3 =	slt.u32 s25, $0x268;
	[tilespmem:v11+s16+$0x0] =	vst.idx.msk $0xffff, v15;
	v15 =	vbroadcast v19, $0x0;
	v11 =	vadd.s32 $0xFFFFFFFF, v20;
	v19 =	vmov s28;
	s28 =	sadd.s32 s28, s29;
	v20 =	vld [tilespmem:s24+$0x30];
	s29 =	spop (v2sf)  }
0x9a: {  	v22 =	vld [tilespmem:s26+$0x30];
	v23 =	vbroadcast v11, $0x0;
	v11 =	vadd.s32 $0xFFFFFFFF, v19;
	v19 =	vmov s28;
	s28 =	sadd.s32 s28, s29;
	s29 =	spop (v2sf)  }
0x9b: {  	v24 =	vld [tilespmem:s26+$0x20];
	v25 =	vbroadcast v11, $0x0;
	v11 =	vadd.s32 $0xFFFFFFFF, v19;
	v19 =	vmov s28;
	s28 =	sadd.s32 s28, s29;
	s29 =	spop (v2sf)  }
0x9c: {  	v26 =	vld [tilespmem:s26+$0x10];
	v11 =	vbroadcast v11, $0x0;
	v19 =	vadd.s32 $0xFFFFFFFF, v19;
	v27 =	vmov s28;
	s28 =	sadd.s32 s28, s29  }
0x9d: {  	v28 =	vmov s28;
	v29 =	vld [tilespmem:s26+$0x0];
	v19 =	vbroadcast v19, $0x0;
	v27 =	vadd.s32 $0xFFFFFFFF, v27  }
0x9e: {  	v28 =	vadd.s32 $0xFFFFFFFF, v28;
	v30 =	vld [tilespmem:s26+$0xFFFFFFF0];
	v16 =	vadd.s32 v16, v11;
	v27 =	vbroadcast v27, $0x0  }
0x9f: {  	v14 =	vadd.s32 v14, v25;
	v11 =	vbroadcast v28, $0x0;
	v28 =	vld [tilespmem:s26+$0xFFFFFFE0];
	v17 =	vadd.s32 v17, v19  }
0xa0: {  	v10 =	vadd.s32 v10, v15;
	v13 =	vadd.s32 v13, v23;
	v19 =	vld [tilespmem:s26+$0xFFFFFFD0];
	v15 =	vadd.s32 v21, v27  }
0xa1: {  	v8 =	vadd.s32 v8, v18;
	v17 =	vnsel vm5, $0x2800, v17;
	v21 =	vld [tilespmem:s26+$0xFFFFFFC0];
	v15 =	vnsel vm6, $0x2800, v15  }
0xa2: {  	v13 =	vnsel vm2, $0x2800, v13;
	v14 =	vnsel vm3, $0x2800, v14;
	v16 =	vnsel vm4, $0x2800, v16  }
0xa3: {  	v8 =	vnsel vm0, $0x2800, v8;
	v10 =	vnsel vm1, $0x2800, v10;
	v18 =	vmul.u32 $0x10625, v22;
	v23 =	vld [tilespmem:s24+$0x20]  }
0xa4: {  	v31 =	vmul.u32 $0x10625, v24;
	v27 =	vmul.u32 $0x10625, v26;
	v25 =	vmul.u32 $0x10625, v29  }
0xa5: {  	v34 =	vmul.u32 $0x10625, v30;
	v33 =	vmul.u32 $0x10625, v28;
	v32 =	vmul.u32 $0x10625, v19;
	v35 =	vld [tilespmem:s24+$0x10]  }
0xa6: {  	v18 =	vshrl.u32 v18, $0x1A;
	v31 =	vshrl.u32 v31, $0x1A;
	v36 =	vmul.u32 $0x10625, v21;
	[tilespmem:v15+s15+$0x0] =	vst.idx.msk $0xffff, v20  }
0xa7: {  	v27 =	vshrl.u32 v27, $0x1A;
	v25 =	vshrl.u32 v25, $0x1A;
	v20 =	vshrl.u32 v34, $0x1A;
	[tilespmem:v15+s16+$0x0] =	vst.idx.msk $0xffff, v12  }
0xa8: {  	v15 =	vshrl.u32 v32, $0x1A;
	v32 =	vshrl.u32 v33, $0x1A;
	v12 =	vshrl.u32 v36, $0x1A;
	v33 =	vld [tilespmem:s24+$0x0];
	[tilespmem:v17+s15+$0x0] =	vst.idx.msk $0xffff, v23  }
0xa9: {  	v34 =	vmul.u32 $0xFFFFFC18, v31;
	v23 =	vmul.u32 $0xFFFFFC18, v27;
	v36 =	vmul.u32 $0xFFFFFC18, v18;
	[tilespmem:v17+s16+$0x0] =	vst.idx.msk $0xffff, v9  }
0xaa: {  	v37 =	vmul.u32 $0xFFFFFC18, v25;
	v9 =	vmul.u32 $0xFFFFFC18, v12;
	v17 =	vmul.u32 $0xFFFFFC18, v20;
	v38 =	vld [tilespmem:s24+$0xFFFFFFF0];
	[tilespmem:v16+s15+$0x0] =	vst.idx.msk $0xffff, v35  }
0xab: {  	v39 =	vmul.u32 $0xFFFFFC18, v32;
	v35 =	vmul.u32 $0xFFFFFC18, v15;
	v22 =	vadd.s32 v22, v36;
	[tilespmem:v16+s16+$0x0] =	vst.idx.msk $0xffff, v7  }
0xac: {  	v7 =	vadd.s32 v21, v9;
	v9 =	vadd.s32 v26, v23;
	v16 =	vadd.s32 v24, v34;
	v21 =	vld [tilespmem:s24+$0xFFFFFFE0]  }
0xad: {  	v23 =	vadd.s32 v29, v37;
	vm7 =	vgt.s32 v7, $0x3DD;
	v19 =	vadd.s32 v19, v35;
	[tilespmem:v14+s15+$0x0] =	vst.idx.msk $0xffff, v33  }
0xae: {  	v26 =	vadd.s32 v28, v39;
	v24 =	vmpcnt.ones.xlane vm7;
	vm0 =	vgt.s32 v19, $0x3DD;
	v28 =	vld [tilespmem:s24+$0xFFFFFFD0];
	[tilespmem:v14+s16+$0x0] =	vst.idx.msk $0xffff, v6  }
0xaf: {  	vm1 =	vgt.s32 v26, $0x3DD;
	v6 =	vmpcnt.ones.xlane vm0;
	v14 =	vadd.s32 v30, v17;
	[tilespmem:v13+s15+$0x0] =	vst.idx.msk $0xffff, v38  }
0xb0: {  	v17 =	vmpcnt.ones.xlane vm1;
	vm2 =	vgt.s32 v14, $0x3DD;
	(v2sf) =	vpush v24, $0x0;
	[tilespmem:v13+s16+$0x0] =	vst.idx.msk $0xffff, v5  }
0xb1: {  	vm3 =	vgt.s32 v23, $0x3DD;
	v5 =	vmpcnt.ones.xlane vm2;
	(v2sf) =	vpush v6, $0x0;
	[tilespmem:v10+s15+$0x0] =	vst.idx.msk $0xffff, v21  }
0xb2: {  	vm4 =	vgt.s32 v9, $0x3DD;
	v6 =	vmpcnt.ones.xlane vm3;
	(v2sf) =	vpush v17, $0x0;
	[tilespmem:v10+s16+$0x0] =	vst.idx.msk $0xffff, v4  }
0xb3: {  	vm5 =	vgt.s32 v16, $0x3DD;
	v4 =	vmpcnt.ones.xlane vm4;
	(v2sf) =	vpush v5, $0x0;
	[tilespmem:v8+s15+$0x0] =	vst.idx.msk $0xffff, v28  }
0xb4: {  	vm6 =	vgt.s32 v22, $0x3DD;
	v5 =	vmpcnt.ones.xlane vm5;
	(v2sf) =	vpush v6, $0x0;
	[tilespmem:v8+s16+$0x0] =	vst.idx.msk $0xffff, v3  }
0xb5: {  	v3 =	vsel vm7, $0x1, v1;
	v6 =	vmpcnt.ones.xlane vm6;
	(v2sf) =	vpush v4, $0x0  }
0xb6: {  	v8 =	vsel vm1, $0x1, v1;
	v4 =	vsel vm0, $0x1, v1;
	(xrf0) =	vadd.scan.msk.s32 $0xffff, v3;
	(v2sf) =	vpush v5, $0x0  }
0xb7: {  	v3 =	vsel vm2, $0x1, v1;
	v5 =	vsel vm3, $0x1, v1;
	(xrf0) =	vadd.scan.msk.s32 $0xffff, v4;
	(v2sf) =	vpush v6, $0x0  }
0xb8: {  	v10 =	vsel vm6, $0x1, v1;
	v4 =	vsel vm4, $0x1, v1;
	v6 =	vsel vm5, $0x1, v1;
	(xrf0) =	vadd.scan.msk.s32 $0xffff, v8  }
0xb9: {  	v13 =	vmul.u32 $0xA, v32;
	v8 =	vmul.u32 $0xA, v12;
	v12 =	vmul.u32 $0xA, v15;
	(xrf0) =	vadd.scan.msk.s32 $0xffff, v3  }
0xba: {  	v21 =	vmul.u32 $0xA, v20;
	v17 =	vmul.u32 $0xA, v27;
	v15 =	vmul.u32 $0xA, v25;
	(xrf0) =	vadd.scan.msk.s32 $0xffff, v5  }
0xbb: {  	v20 =	vmul.u32 $0xA, v18;
	v5 =	vadd.s32 v7, v8;
	v7 =	vmul.u32 $0xA, v31;
	(xrf0) =	vadd.scan.msk.s32 $0xffff, v4  }
0xbc: {  	v14 =	vadd.s32 v14, v21;
	v4 =	vadd.s32 v19, v12;
	v12 =	vadd.s32 v26, v13;
	v3, _, _ =	vpop (xrf0);
	(xrf0) =	vadd.scan.msk.s32 $0xffff, v6  }
0xbd: {  	s24 =	sadd.s32 $0x80, s24;
	v9 =	vadd.s32 v9, v17;
	v6 =	vadd.s32 v23, v15;
	v3 =	vadd.s32 v3, v11;
	v8, _, _ =	vpop (xrf0);
	(xrf0) =	vadd.scan.msk.s32 $0xffff, v10  }
.Ltmp3:
0xbe: {  	v17 =	vadd.s32 v22, v20;
	v16 =	vadd.s32 v16, v7;
	v18 =	vld [tilespmem:s24+$0xFFFFFFC0];
	v11 =	vnsel vm7, $0x2800, v3;
	v10, _, _ =	vpop (xrf0);
	(pc) =	sbr.rel @p3 .LBB2_4-.Ltmp3, $4  }
0xbf: {  	v15 =	vadd.s32 $0xFFFFFC22, v5;
	v3 =	vadd.s32 $0xFFFFFC22, v4;
	v4 =	vadd.s32 $0xFFFFFC22, v12;
	s29 =	spop (v2sf);
	v13, _, _ =	vpop (xrf0)  }
0xc0: {  	v5 =	vadd.s32 $0xFFFFFC22, v14;
	v7 =	vadd.s32 $0xFFFFFC22, v9;
	v6 =	vadd.s32 $0xFFFFFC22, v6;
	s28 =	sadd.s32 s28, s29;
	s29 =	spop (v2sf);
	v14, _, _ =	vpop (xrf0)  }
0xc1: {  	v9 =	vadd.s32 $0xFFFFFC22, v16;
	v12 =	vadd.s32 $0xFFFFFC22, v17;
	v19 =	vmov s28;
	s28 =	sadd.s32 s28, s29;
	s29 =	spop (v2sf);
	v16, _, _ =	vpop (xrf0)  }
0xc2: {  	s26 =	sadd.s32 $0x80, s26;
	v19 =	vadd.s32 $0xFFFFFFFF, v19;
	v20 =	vmov s28;
	s28 =	sadd.s32 s28, s29;
	s29 =	spop (v2sf);
	v17, _, _ =	vpop (xrf0)  }
0xc3: {  	_ =	sdelay $0x2  }
0xc4: {  	v51 =	vadd.s32 $0xFFFFFFFF, v20;
	v54 =	vbroadcast v19, $0x0  }
0xc5: {  	[tilespmem:v11+s15+$0x0] =	vst.idx.msk $0xffff, v18;
	v47 =	vmov s28;
	v18 =	vbroadcast v51, $0x0  }
0xc6: {  	s26 =	sadd.s32 s28, s29;
	s25 =	spop (v2sf);
	v48 =	vadd.s32 $0xFFFFFFFF, v47;
	v8 =	vadd.s32 v8, v54  }
0xc7: {  	v56 =	vld [tilespmem:s24+$0xFFFFFFD0];
	s29 =	sadd.s32 s26, s25;
	s30 =	spop (v2sf);
	[tilespmem:v11+s16+$0x0] =	vst.idx.msk $0xffff, v15;
	v11 =	vbroadcast v48, $0x0;
	v10 =	vadd.s32 v10, v18;
	v8 =	vnsel vm0, $0x2800, v8  }
0xc8: {  	v55 =	vld [tilespmem:s24+$0xFFFFFFE0];
	s30 =	sadd.s32 s29, s30;
	v24 =	vmov s29;
	v10 =	vnsel vm1, $0x2800, v10  }
0xc9: {  	s31 =	spop (v2sf);
	v22 =	vmov s30;
	v24 =	vadd.s32 $0xFFFFFFFF, v24;
	v11 =	vadd.s32 v13, v11  }
0xca: {  	v53 =	vld [tilespmem:s24+$0xFFFFFFF0];
	s25 =	sadd.s32 s30, s31;
	v22 =	vadd.s32 $0xFFFFFFFF, v22;
	v24 =	vbroadcast v24, $0x0;
	v11 =	vnsel vm2, $0x2800, v11  }
0xcb: {  	v21 =	vmov s25;
	v22 =	vbroadcast v22, $0x0  }
0xcc: {  	v21 =	vadd.s32 $0xFFFFFFFF, v21;
	v16 =	vadd.s32 v16, v24;
	[tilespmem:v8+s15+$0x0] =	vst.idx.msk $0xffff, v56  }
0xcd: {  	v50 =	vld [tilespmem:s24+$0x10];
	v21 =	vbroadcast v21, $0x0;
	v17 =	vadd.s32 v17, v22;
	v49 =	vnsel vm4, $0x2800, v16;
	[tilespmem:v10+s15+$0x0] =	vst.idx.msk $0xffff, v55  }
0xce: {  	v23, _, _ =	vpop (xrf0);
	v46 =	vld [tilespmem:s24+$0x20];
	v25 =	vmov s26;
	v17 =	vnsel vm5, $0x2800, v17;
	[tilespmem:v8+s16+$0x0] =	vst.idx.msk $0xffff, v3  }
0xcf: {  	v45 =	vadd.s32 $0xFFFFFFFF, v25;
	v21 =	vadd.s32 v23, v21;
	[tilespmem:v11+s15+$0x0] =	vst.idx.msk $0xffff, v53  }
0xd0: {  	v44 =	vld [tilespmem:s24+$0x30];
	v22 =	vbroadcast v45, $0x0;
	v21 =	vnsel vm6, $0x2800, v21;
	[tilespmem:v10+s16+$0x0] =	vst.idx.msk $0xffff, v4  }
0xd1: {  	[tilespmem:v11+s16+$0x0] =	vst.idx.msk $0xffff, v5  }
0xd2: {  	v14 =	vadd.s32 v14, v22;
	[tilespmem:v49+s15+$0x0] =	vst.idx.msk $0xffff, v50  }
0xd3: {  	v52 =	vld [tilespmem:s24+$0x0];
	v14 =	vnsel vm3, $0x2800, v14;
	[tilespmem:v17+s15+$0x0] =	vst.idx.msk $0xffff, v46  }
0xd4: {  	[tilespmem:v49+s16+$0x0] =	vst.idx.msk $0xffff, v7  }
0xd5: {  	[tilespmem:v21+s15+$0x0] =	vst.idx.msk $0xffff, v44  }
0xd6: {  	[tilespmem:v17+s16+$0x0] =	vst.idx.msk $0xffff, v9  }
0xd7: {  	[tilespmem:v21+s16+$0x0] =	vst.idx.msk $0xffff, v12  }
0xd8: {  	[tilespmem:v14+s15+$0x0] =	vst.idx.msk $0xffff, v52  }
0xd9: {  	[tilespmem:v14+s16+$0x0] =	vst.idx.msk $0xffff, v6  }
0xda: {  	v3 =	vld [tilespmem:$0x4E80];
	_ =	sdelay $0x4  }
0xdb: {  	v57 =	vmul.u32 $0x10625, v3;
	_ =	sdelay $0x1  }
0xdc: {  	v4 =	vshrl.u32 v57, $0x1A  }
0xdd: {  	v58 =	vmul.u32 $0xFFFFFC18, v4;
	_ =	sdelay $0x1  }
0xde: {  	v3 =	vadd.s32 v3, v58  }
0xdf: {  	vm15 =	vgt.s32 v3, $0x3DD  }
0xe0: {  	v59 =	vmpcnt.ones.xlane vm15;
	_ =	sdelay $0x1  }
0xe1: {  	(v2sf) =	vpush v59, $0x0  }
0xe2: {  	v60 =	vsel vm15, $0x1, v1  }
0xe3: {  	(xrf0) =	vadd.scan.msk.s32 $0xffff, v60  }
0xe4: {  	s30 =	spop (v2sf)  }
0xe5: {  	s24 =	sadd.s32 s25, s30  }
0xe6: {  	v61 =	vmov s24  }
0xe7: {  	v5 =	vadd.s32 $0xFFFFFFFF, v61  }
0xe8: {  	v5 =	vbroadcast v5, $0x0  }
0xe9: {  	v62, _, _ =	vpop (xrf0)  }
0xea: {  	v5 =	vadd.s32 v62, v5  }
0xeb: {  	v63 =	vld [tilespmem:$0x2700];
	v5 =	vnsel vm15, $0x2800, v5;
	_ =	sdelay $0x1  }
0xec: {  	v4 =	vmul.u32 $0xA, v4;
	_ =	sdelay $0x1  }
0xed: {  	v3 =	vadd.s32 v3, v4  }
0xee: {  	v3 =	vadd.s32 $0xFFFFFC22, v3;
	[tilespmem:v5+s15+$0x0] =	vst.idx.msk $0xffff, v63;
	s31 =	spop (v2sf)  }
0xef: {  	[tilespmem:v5+s16+$0x0] =	vst.idx.msk $0xffff, v3;
	s25 =	sadd.s32 s24, s31  }
0xf0: {  	[tilespmem:s25+$0x4F00] =	vst v1  }
0xf1: {  	[tilespmem:s25+$0x7780] =	vst v2  }
0xf2: {  	[tilespmem:s25+$0x4F10] =	vst v1  }
0xf3: {  	[tilespmem:s25+$0x7790] =	vst v2  }
0xf4: {  	[tilespmem:s25+$0x4F20] =	vst v1  }
0xf5: {  	[tilespmem:s25+$0x77A0] =	vst v2  }
0xf6: {  	[tilespmem:s25+$0x4F30] =	vst v1  }
0xf7: {  	[tilespmem:s25+$0x77B0] =	vst v2  }
0xf8: {  	[tilespmem:s25+$0x4F40] =	vst v1  }
0xf9: {  	[tilespmem:s25+$0x77C0] =	vst v2  }
0xfa: {  	[tilespmem:s25+$0x4F50] =	vst v1  }
0xfb: {  	[tilespmem:s25+$0x77D0] =	vst v2;
	s24 =	sadd.s32 $0x7F, s25  }
0xfc: {  	[tilespmem:s25+$0x4F60] =	vst v1;
	p3 =	slt.s32 s24, $0x80  }
.Ltmp4:
0xfd: {  	[tilespmem:s25+$0x77E0] =	vst v2;
	(pc) =	sbr.rel @p3 .LBB2_10-.Ltmp4, $3  }
0xfe: {  	[tilespmem:s25+$0x4F70] =	vst v1  }
0xff: {  	[tilespmem:s25+$0x77F0] =	vst v2  }
0x100: {  	[bflag:$0x0] =	sbarrier.arrive $0xFFFF;
	_ =	sdelay $0x1  }
0x101: {  	s25 =	sshra.s32 s24, $0x1F  }
0x102: {  	s25 =	sshrl.u32 s25, $0x19  }
0x103: {  	s31 =	sadd.s32 s25, s24  }
0x104: {  	s25 =	simm.s32 $0x0;
	s24 =	sshra.s32 s31, $0x7  }
.LBB2_7:
0x105: {  	s26 =	sshll.u32 s25, $0x7  }
0x106: {  	v3 =	vld [tilespmem:s26+$0x4F00];
	_ =	sdelay $0x4  }
0x107: {  	[tilespmem:$0xA000] =	vst v3;
	v3 =	vshrl.u32 v3, $0x1  }
0x108: {  	[tilespmem:$0xA180] =	vst v3  }
0x109: {  	v3 =	vld [tilespmem:s26+$0x7780];
	_ =	sdelay $0x4  }
0x10a: {  	[tilespmem:$0xA100] =	vst v3  }
0x10b: {  	v3 =	vld [tilespmem:s26+$0x4F10];
	_ =	sdelay $0x4  }
0x10c: {  	[tilespmem:$0xA010] =	vst v3;
	v3 =	vshrl.u32 v3, $0x1  }
0x10d: {  	[tilespmem:$0xA190] =	vst v3  }
0x10e: {  	v3 =	vld [tilespmem:s26+$0x7790];
	_ =	sdelay $0x4  }
0x10f: {  	[tilespmem:$0xA110] =	vst v3  }
0x110: {  	v3 =	vld [tilespmem:s26+$0x4F20];
	_ =	sdelay $0x4  }
0x111: {  	[tilespmem:$0xA020] =	vst v3;
	v3 =	vshrl.u32 v3, $0x1  }
0x112: {  	[tilespmem:$0xA1A0] =	vst v3  }
0x113: {  	v3 =	vld [tilespmem:s26+$0x77A0];
	_ =	sdelay $0x4  }
0x114: {  	[tilespmem:$0xA120] =	vst v3  }
0x115: {  	v3 =	vld [tilespmem:s26+$0x4F30];
	_ =	sdelay $0x4  }
0x116: {  	[tilespmem:$0xA030] =	vst v3;
	v3 =	vshrl.u32 v3, $0x1  }
0x117: {  	[tilespmem:$0xA1B0] =	vst v3  }
0x118: {  	v3 =	vld [tilespmem:s26+$0x77B0];
	_ =	sdelay $0x4  }
0x119: {  	[tilespmem:$0xA130] =	vst v3  }
0x11a: {  	v3 =	vld [tilespmem:s26+$0x4F40];
	_ =	sdelay $0x4  }
0x11b: {  	[tilespmem:$0xA040] =	vst v3;
	v3 =	vshrl.u32 v3, $0x1  }
0x11c: {  	[tilespmem:$0xA1C0] =	vst v3  }
0x11d: {  	v3 =	vld [tilespmem:s26+$0x77C0];
	_ =	sdelay $0x4  }
0x11e: {  	[tilespmem:$0xA140] =	vst v3  }
0x11f: {  	v3 =	vld [tilespmem:s26+$0x4F50];
	_ =	sdelay $0x4  }
0x120: {  	[tilespmem:$0xA050] =	vst v3;
	v3 =	vshrl.u32 v3, $0x1  }
0x121: {  	[tilespmem:$0xA1D0] =	vst v3  }
0x122: {  	v3 =	vld [tilespmem:s26+$0x77D0];
	_ =	sdelay $0x4  }
0x123: {  	[tilespmem:$0xA150] =	vst v3  }
0x124: {  	v3 =	vld [tilespmem:s26+$0x4F60];
	_ =	sdelay $0x4  }
0x125: {  	[tilespmem:$0xA060] =	vst v3;
	v3 =	vshrl.u32 v3, $0x1  }
0x126: {  	[tilespmem:$0xA1E0] =	vst v3  }
0x127: {  	v3 =	vld [tilespmem:s26+$0x77E0];
	_ =	sdelay $0x4  }
0x128: {  	[tilespmem:$0xA160] =	vst v3  }
0x129: {  	v3 =	vld [tilespmem:s26+$0x4F70];
	_ =	sdelay $0x4  }
0x12a: {  	[tilespmem:$0xA070] =	vst v3;
	v3 =	vshrl.u32 v3, $0x1  }
0x12b: {  	[tilespmem:$0xA1F0] =	vst v3  }
0x12c: {  	v3 =	vld [tilespmem:s26+$0x77F0];
	_ =	sdelay $0x4  }
0x12d: {  	[tilespmem:$0xA170] =	vst v3  }
0x12e: {  	[tilespmem:s19], [sflag:$0x1] =	stream.indirect.gather [spmem:s2], $0x80, s18, s17, $0xb8;
	[tilespmem:$0x1F580] =	vst v63  }
0x12f: {  	_ =	swait.ge [sflag:s20], $0x4000  }
0x130: {  	[sflag:s20] =	ssyncset.done $0x0  }
0x131: {  	s26 =	simm.s32 $0xA000;
	[sflag:s20] =	ssyncadd.s32 $0xFFFFC000  }
0x132: {  	s29 =	simm.s32 $0x200;
	s28 =	simm.s32 $0x0;
	v3 =	vld [tilespmem:s26+$0x0]  }
.LBB2_8:
0x133: {  	p3 =	sne.s32 s29, $0xFE00;
	_ =	sdelay $0x3  }
0x134: {  	(v2sf) =	vpush v3, $0x0;
	_ =	sdelay $0x9  }
0x135: {  	s30 =	sshra.s32 s28, $0x2;
	s28 =	smov.u32 s29  }
0x136: {  	v3 =	vld [tilespmem:s30+$0xA200]  }
0x137: {  	v4 =	vld [tilespmem:s30+$0xA210]  }
0x138: {  	v5 =	vld [tilespmem:s30+$0xA220]  }
0x139: {  	v6 =	vld [tilespmem:s30+$0xA230]  }
0x13a: {  	v7 =	vld [tilespmem:s30+$0xA240];
	s31 =	spop (v2sf)  }
0x13b: {  	s31 =	sxor.u32 $0xFFFFFFFF, s31;
	v8 =	vld [tilespmem:s30+$0xA250]  }
0x13c: {  	s31 =	sshll.u32 s31, $0x4;
	v9 =	vld [tilespmem:s30+$0xA260]  }
0x13d: {  	s31 =	sand.u32 $0x10, s31;
	v10 =	vld [tilespmem:s30+$0xA270]  }
0x13e: {  	v3 =	vshll.u32 v3, s31;
	v4 =	vshll.u32 v4, s31;
	v5 =	vshll.u32 v5, s31  }
0x13f: {  	v3 =	vand.u32 $0xFFFF0000, v3;
	v4 =	vand.u32 $0xFFFF0000, v4;
	v5 =	vand.u32 $0xFFFF0000, v5  }
0x140: {  	[tilespmem:s30+$0xE200] =	vst v3;
	v3 =	vshll.u32 v6, s31;
	v6 =	vshll.u32 v7, s31;
	v7 =	vshll.u32 v8, s31  }
0x141: {  	[tilespmem:s30+$0xE210] =	vst v4;
	v3 =	vand.u32 $0xFFFF0000, v3;
	v4 =	vand.u32 $0xFFFF0000, v6;
	v6 =	vand.u32 $0xFFFF0000, v7  }
0x142: {  	[tilespmem:s30+$0xE220] =	vst v5;
	v5 =	vshll.u32 v9, s31;
	v7 =	vshll.u32 v10, s31  }
0x143: {  	[tilespmem:s30+$0xE230] =	vst v3;
	v3 =	vand.u32 $0xFFFF0000, v5;
	v5 =	vand.u32 $0xFFFF0000, v7  }
.Ltmp5:
0x144: {  	[tilespmem:s30+$0xE240] =	vst v4;
	(pc) =	sbr.rel @p3 .LBB2_8-.Ltmp5, $4  }
0x145: {  	[tilespmem:s30+$0xE250] =	vst v6  }
0x146: {  	[tilespmem:s30+$0xE260] =	vst v3  }
0x147: {  	s26 =	sadd.s32 $0x1, s26;
	[tilespmem:s30+$0xE270] =	vst v5  }
0x148: {  	s29 =	sadd.s32 $0x200, s29;
	v3 =	vld [tilespmem:s26+$0x0]  }
0x149: {  	_ =	sdelay $0x3  }
0x14a: {  	(v2sf) =	vpush v3, $0x0;
	_ =	sdelay $0xc  }
0x14b: {  	s26 =	sshra.s32 s28, $0x2  }
0x14c: {  	v3 =	vld [tilespmem:s26+$0xA200]  }
0x14d: {  	v4 =	vld [tilespmem:s26+$0xA210];
	s31 =	spop (v2sf)  }
0x14e: {  	v5 =	vld [tilespmem:s26+$0xA220];
	s28 =	sxor.u32 $0xFFFFFFFF, s31  }
0x14f: {  	v6 =	vld [tilespmem:s26+$0xA230];
	s28 =	sshll.u32 s28, $0x4  }
0x150: {  	v7 =	vld [tilespmem:s26+$0xA240];
	s28 =	sand.u32 $0x10, s28  }
0x151: {  	v9 =	vld [tilespmem:s26+$0xA260];
	v3 =	vshll.u32 v3, s28  }
0x152: {  	v8 =	vld [tilespmem:s26+$0xA250];
	v4 =	vshll.u32 v4, s28;
	v3 =	vand.u32 $0xFFFF0000, v3  }
0x153: {  	v10 =	vld [tilespmem:s26+$0xA270];
	v5 =	vshll.u32 v5, s28;
	v4 =	vand.u32 $0xFFFF0000, v4;
	[tilespmem:s26+$0xE200] =	vst v3  }
0x154: {  	v60 =	vshll.u32 v6, s28;
	v3 =	vand.u32 $0xFFFF0000, v5;
	[tilespmem:s26+$0xE210] =	vst v4  }
0x155: {  	v61 =	vshll.u32 v7, s28;
	v5 =	vand.u32 $0xFFFF0000, v60;
	[tilespmem:s26+$0xE220] =	vst v3  }
0x156: {  	v62 =	vshll.u32 v9, s28;
	v4 =	vand.u32 $0xFFFF0000, v61;
	[tilespmem:s26+$0xE230] =	vst v5  }
0x157: {  	v3 =	vshll.u32 v8, s28;
	[tilespmem:s26+$0xE240] =	vst v4;
	v5 =	vand.u32 $0xFFFF0000, v62  }
0x158: {  	v63 =	vshll.u32 v10, s28;
	v3 =	vand.u32 $0xFFFF0000, v3;
	[tilespmem:s26+$0xE260] =	vst v5  }
0x159: {  	s25 =	sadd.s32 $0x1, s25;
	[tilespmem:s26+$0xE250] =	vst v3;
	v3 =	vand.u32 $0xFFFF0000, v63  }
0x15a: {  	p3 =	sne.s32 s25, s24;
	[tilespmem:s26+$0xE270] =	vst v3  }
0x15b: {  	[spmem:s1] =	stream.indirect.scatter.add.f32 [tilespmem:s22], [sflag:$0x3], $0x80, s21, s17, $0xb8;
	[tilespmem:$0x1F580] =	vst v63  }
.Ltmp6:
0x15c: {  	_ = 	snop;
	(pc) =	sbr.rel @p3 .LBB2_7-.Ltmp6, $4  }
.Ltmp7:
0x15d: {  	_ = 	snop;
	(pc) =	sbr.rel @!p3 .LBB2_10-.Ltmp7, $4  }
0x15e: {  	_ =	swait.ge [sflag:s12], $0x4000  }
0x15f: {  	[sflag:s12] =	ssyncset.done $0x0  }
0x160: {  	[sflag:s12] =	ssyncadd.s32 $0xFFFFC000  }
0x161: {  	_ = 	snop  }
.LBB2_11:
0x162: {  	_ =	sfence.sel $0x180000  }
0x163: {  	[bflag:$0x0] =	sbarrier.arrive $0xFFFF  }
0x164: {  	_ =	strace $0x90000047  }
0x165: {  	s0 =	sadd.s32 @!p2 $0x100000, s0;
	[bflag:$0x2] =	sbarrier.arrive $0xFFFF  }
0x166: {  	[sflag:s0] =	ssyncadd.tile.s32 @!p2 $0x1;
	_ =	shalt  }
.Lfunc_end2:
_tile_overlayer_lowered:
.L_overlay_start_2:
0x167: {  	(tag) =	ssettag $0x2  }
0x168: {  	s0 =	rddreg [dreg:$0x0];
	s2 =	stileid.u32  }
0x169: {  	s1 =	rddreg [dreg:$0x1];
	p0 =	sne.s32 s2, $0x0  }
0x16a: {  	s3 =	rddreg [dreg:$0x2];
	[bflag:$0x3] =	sbarrier.arrive $0xFFFF;
	s2 =	simm.s32 @!p0 $0x1C03  }
0x16b: {  	[timem:s3], [sflag:s2] =	dma.local @!p0 [hbm:s0], s1  }
0x16c: {  	s0 =	simm.s32 @!p0 $0x3  }
0x16d: {  	_ =	swait.ge @!p0 [sflag:s0], s1  }
0x16e: {  	s1 =	ssub.s32 @!p0 $0x0, s1;
	[sflag:s0] =	ssyncset.done @!p0 $0x0  }
0x16f: {  	[sflag:s0] =	ssyncadd.s32 @!p0 s1  }
0x170: {  	[bflag:$0x3] =	sbarrier.arrive $0xFFFF  }
0x171: {  	_ =	shalt  }

</sc_bundles>
